<compile_context>
chip_gen: v7x
topology: tpu7x:2x2x1
jax: 0.10.2.dev20260603
libtpu: 0.0.44.dev20260713+nightly
codegen_flags: <defaults>
</compile_context>

<pallas_src>
import functools

import numpy as np
import jax
import jax.numpy as jnp
from jax import lax
from jax.experimental import pallas as pl
from jax.experimental.pallas import tpu as pltpu
from jax.experimental.pallas import tpu_sc as plsc

_VOCAB = 1000000
_EMBED = 64
_SEQ = 50
_BATCH = 16384

_NC = 2
_NS = 16
_NW = _NC * _NS

_VFULL = _VOCAB // 128 * 128
_NGRP = _VFULL // 128
_CH_PER_W = 124

_NBT = _BATCH // 128
_BT_PER_W = _NBT // _NW
_LS = 2
_NCH = _BT_PER_W * (_SEQ // _LS)


def _positional_encoding(seq_len, d_model):
    pos = np.arange(seq_len)[:, np.newaxis]
    i = np.arange(d_model)[np.newaxis, :]
    angle_rates = 1.0 / np.power(10000, 2 * (i // 2) / np.float32(d_model))
    angle_rads = pos * angle_rates
    angle_rads[:, 0::2] = np.sin(angle_rads[:, 0::2])
    angle_rads[:, 1::2] = np.cos(angle_rads[:, 1::2])
    return angle_rads.astype(np.float32)


def _fmt_body(tt_hbm, tail_hbm, lin_hbm,
              tin0, tin1, tout0, isem0, isem1, osem0, osem1):
    c = lax.axis_index("c")
    s = lax.axis_index("s")
    wid = s * _NC + c

    iota = lax.iota(jnp.int32, 16)
    iotah = iota // 2
    ov = (iota % 2) * 64

    def gbase(ci):
        return lax.rem((wid * _CH_PER_W + ci) * 2, _NGRP)

    def fire_in(ci, tin, isem):
        return pltpu.async_copy(
            tt_hbm.at[:, pl.ds(gbase(ci) * 128, 256)], tin, isem)

    def transpose(tin, tout):
        @plsc.parallel_loop(0, 64, unroll=2)
        def _(e):
            cols = ov + e
            for m in range(16):
                vals = tin[e, pl.ds(m * 16, 16)]
                plsc.store_scatter(tout, [iotah + 8 * m, cols], vals)

    fire_in(0, tin0, isem0)
    fire_in(1, tin1, isem1)

    def loop_body(j, carry):
        for par, (tin, isem) in enumerate(((tin0, isem0), (tin1, isem1))):
            ci = 2 * j + par
            pltpu.make_async_copy(
                tt_hbm.at[:, pl.ds(0, 256)], tin, isem).wait()
            @pl.when(j + par >= 1)
            def _():
                pltpu.make_async_copy(
                    tout0.at[:, pl.ds(0, 128)],
                    lin_hbm.at[pl.ds(0, 128)], osem0).wait()
            transpose(tin, tout0)
            pltpu.async_copy(
                tout0.at[:, pl.ds(0, 128)],
                lin_hbm.at[pl.ds(gbase(ci) * 64, 128)], osem0)
            fire_in(ci + 2, tin, isem)
        return carry

    lax.fori_loop(0, _CH_PER_W // 2, loop_body, 0)

    pltpu.make_async_copy(tt_hbm.at[:, pl.ds(0, 256)], tin0, isem0).wait()
    pltpu.make_async_copy(tt_hbm.at[:, pl.ds(0, 256)], tin1, isem1).wait()
    pltpu.make_async_copy(
        tout0.at[:, pl.ds(0, 128)], lin_hbm.at[pl.ds(0, 128)], osem0).wait()

    @pl.when(wid == 0)
    def _():
        pltpu.async_copy(tail_hbm, tout0.at[pl.ds(0, 32), pl.ds(0, 128)],
                         isem0).wait()
        pltpu.sync_copy(tout0.at[pl.ds(0, 32), pl.ds(0, 128)],
                        lin_hbm.at[pl.ds(_VFULL // 2, 32)])


def _emb_body(xt_hbm, pos_hbm, table_hbm, out_hbm,
              idx0, idx1, pos_v,
              ra0, rb0, ra1, rb1, oa0, ob0, oa1, ob1,
              gsem0, gsem1, osem0, osem1, isem0, isem1):
    c = lax.axis_index("c")
    s = lax.axis_index("s")
    wid = s * _NC + c

    iota = lax.iota(jnp.int32, 16)
    zero16 = jnp.zeros((16,), jnp.int32)
    rowg = [iota + 16 * g for g in range(8)]

    def chunk_lb(ch):
        chm = lax.rem(ch, _NCH)
        q = chm // (_SEQ // _LS)
        l0 = lax.rem(chm, _SEQ // _LS) * _LS
        bt = wid * _BT_PER_W + q
        return l0, bt

    def fire_idx(ch, idx_v, isem):
        l0, bt = chunk_lb(ch)
        return pltpu.async_copy(
            xt_hbm.at[pl.ds(l0, _LS), pl.ds(bt * 128, 128)], idx_v, isem)

    def fire_gathers(idx_v, ra, rb, gsem):
        pltpu.async_copy(table_hbm.at[idx_v.at[0]], ra, gsem)
        pltpu.async_copy(table_hbm.at[idx_v.at[1]], rb, gsem)

    etv = [(16 * k + iota) // 8 for k in range(4)]
    erv = [(16 * k + iota) % 8 for k in range(4)]

    def add_transpose(l, rows_v, outb_v):
        pk = [pos_v[l, pl.ds(16 * k, 16)] for k in range(4)]

        @plsc.parallel_loop(0, 128, unroll=2)
        def _(br):
            colv = zero16 + br
            for k in range(4):
                vals = rows_v[br, pl.ds(k * 16, 16)] + pk[k]
                plsc.store_scatter(
                    outb_v, [zero16, etv[k], zero16, erv[k], colv], vals)

    def out_slice(l, bt):
        return out_hbm.at[pl.ds(l, 1), pl.ds(0, 8), pl.ds(bt, 1)]

    pltpu.sync_copy(pos_hbm, pos_v)

    fire_idx(0, idx0, isem0).wait()
    fire_idx(1, idx1, isem1).wait()
    fire_gathers(idx0, ra0, rb0, gsem0)
    fire_gathers(idx1, ra1, rb1, gsem1)

    def loop_body(j, carry):
        for par, (idx_v, ra, rb, oa, ob, gsem, osem, isem) in enumerate((
                (idx0, ra0, rb0, oa0, ob0, gsem0, osem0, isem0),
                (idx1, ra1, rb1, oa1, ob1, gsem1, osem1, isem1))):
            ch = 2 * j + par
            l0, bt = chunk_lb(ch)
            pltpu.make_async_copy(table_hbm.at[pl.ds(0, 128)], ra, gsem).wait()
            pltpu.make_async_copy(table_hbm.at[pl.ds(0, 128)], rb, gsem).wait()
            ih = fire_idx(ch + 2, idx_v, isem)
            @pl.when(j >= 1)
            def _():
                pltpu.make_async_copy(oa.at[:, :, :, :, pl.ds(0, 128)],
                                      out_slice(0, 0), osem).wait()
                pltpu.make_async_copy(ob.at[:, :, :, :, pl.ds(0, 128)],
                                      out_slice(0, 0), osem).wait()
            add_transpose(l0, ra, oa)
            add_transpose(l0 + 1, rb, ob)
            pltpu.async_copy(oa.at[:, :, :, :, pl.ds(0, 128)],
                             out_slice(l0, bt), osem)
            pltpu.async_copy(ob.at[:, :, :, :, pl.ds(0, 128)],
                             out_slice(l0 + 1, bt), osem)
            ih.wait()
            fire_gathers(idx_v, ra, rb, gsem)
        return carry

    lax.fori_loop(0, _NCH // 2, loop_body, 0)

    for ra, rb, oa, ob, gsem, osem in (
            (ra0, rb0, oa0, ob0, gsem0, osem0),
            (ra1, rb1, oa1, ob1, gsem1, osem1)):
        pltpu.make_async_copy(oa.at[:, :, :, :, pl.ds(0, 128)],
                              out_slice(0, 0), osem).wait()
        pltpu.make_async_copy(ob.at[:, :, :, :, pl.ds(0, 128)],
                              out_slice(0, 0), osem).wait()
        pltpu.make_async_copy(table_hbm.at[pl.ds(0, 128)], ra, gsem).wait()
        pltpu.make_async_copy(table_hbm.at[pl.ds(0, 128)], rb, gsem).wait()


@functools.partial(jax.jit, static_argnames=())
def kernel(x, table):
    pos = jnp.asarray(_positional_encoding(_SEQ, _EMBED))
    tableT = table.T
    tail = table[_VFULL:].reshape(32, 128)
    xT = x.T
    mesh = plsc.VectorSubcoreMesh(core_axis_name="c", subcore_axis_name="s")

    fmt = pl.kernel(
        _fmt_body,
        out_type=jax.ShapeDtypeStruct((_VOCAB // 2, 128), jnp.float32),
        mesh=mesh,
        scratch_types=[
            pltpu.VMEM((64, 256), jnp.float32),
            pltpu.VMEM((64, 256), jnp.float32),
            pltpu.VMEM((128, 129), jnp.float32),
            pltpu.SemaphoreType.DMA,
            pltpu.SemaphoreType.DMA,
            pltpu.SemaphoreType.DMA,
            pltpu.SemaphoreType.DMA,
        ],
        compiler_params=pltpu.CompilerParams(
            use_tc_tiling_on_sc=True, needs_layout_passes=False),
    )
    table_lin = table

    emb = pl.kernel(
        _emb_body,
        out_type=jax.ShapeDtypeStruct((_SEQ, 8, 128, 8, 128), jnp.float32),
        mesh=mesh,
        scratch_types=[
            pltpu.VMEM((_LS, 128), jnp.int32),
            pltpu.VMEM((_LS, 128), jnp.int32),
            pltpu.VMEM((_SEQ, _EMBED), jnp.float32),
            pltpu.VMEM((128, _EMBED), jnp.float32),
            pltpu.VMEM((128, _EMBED), jnp.float32),
            pltpu.VMEM((128, _EMBED), jnp.float32),
            pltpu.VMEM((128, _EMBED), jnp.float32),
            pltpu.VMEM((1, 8, 1, 8, 129), jnp.float32),
            pltpu.VMEM((1, 8, 1, 8, 129), jnp.float32),
            pltpu.VMEM((1, 8, 1, 8, 129), jnp.float32),
            pltpu.VMEM((1, 8, 1, 8, 129), jnp.float32),
            pltpu.SemaphoreType.DMA,
            pltpu.SemaphoreType.DMA,
            pltpu.SemaphoreType.DMA,
            pltpu.SemaphoreType.DMA,
            pltpu.SemaphoreType.DMA,
            pltpu.SemaphoreType.DMA,
        ],
        compiler_params=pltpu.CompilerParams(
            use_tc_tiling_on_sc=False, needs_layout_passes=False),
    )
    out5 = emb(xT, pos, table_lin)
    return out5.transpose(2, 4, 0, 1, 3).reshape(_BATCH, _SEQ, _EMBED)

# --- scband reference (transcript-rebuilt; emitter-appended) ---
"""Pipeline reference for scband-positional-encoding-8615704395987 (READ-ONLY COPY).

The authoritative reference and input builder live on the scoring server;
editing this copy changes nothing except your own understanding.
"""

import jax, jax.numpy as jnp
import numpy as np

VOCAB = 1000000
EMBED = 64
SEQ = 50
BATCH = 16384


def get_positional_encoding(seq_len, d_model):
    pos = np.arange(seq_len)[:, np.newaxis]
    i = np.arange(d_model)[np.newaxis, :]
    angle_rates = 1.0 / np.power(10000, 2 * (i // 2) / np.float32(d_model))
    angle_rads = pos * angle_rates
    angle_rads[:, 0::2] = np.sin(angle_rads[:, 0::2])
    angle_rads[:, 1::2] = np.cos(angle_rads[:, 1::2])
    return jnp.asarray(angle_rads[np.newaxis, ...], dtype=jnp.float32)


def setup_inputs(seed: int = 0) -> dict:
    key = jax.random.key(seed)
    k1, k2 = jax.random.split(key)
    x = jax.random.randint(k1, (BATCH, SEQ), 0, VOCAB, dtype=jnp.int32)
    # Learned embedding table (Keras Embedding default: uniform init)
    table = jax.random.uniform(k2, (VOCAB, EMBED), dtype=jnp.float32, minval=-0.05, maxval=0.05)
    return {"x": x, "table": table}


def reference(x, table):
    pos_encoding = get_positional_encoding(SEQ, EMBED)  # [1, SEQ, EMBED]
    length = x.shape[1]
    emb = jnp.take(table, x, axis=0)  # [B, L, EMBED] embedding gather
    return emb + pos_encoding[:, :length, :]

if __name__ == "__main__":
    import jax
    _d = setup_inputs()
    print(jax.jit(kernel)(*tuple(_d.values())))

</pallas_src>

<mosaic_0001>
#map = affine_map<(d0, d1) -> (0, 0)>
#map1 = affine_map<(d0, d1) -> (0, 0, 0, 0, 0)>
module attributes {stable_mosaic.version = 14 : i64} {
  func.func @_emb_body(%arg0: i32, %arg1: i32, %arg2: memref<50x16384xi32, #tpu.memory_space<hbm>>, %arg3: memref<50x64xf32, #tpu.memory_space<hbm>>, %arg4: memref<1000000x64xf32, #tpu.memory_space<hbm>>, %arg5: memref<50x8x128x8x128xf32, #tpu.memory_space<hbm>>, %arg6: memref<2x128xi32, #tpu.memory_space<vmem>>, %arg7: memref<2x128xi32, #tpu.memory_space<vmem>>, %arg8: memref<50x64xf32, #tpu.memory_space<vmem>>, %arg9: memref<128x64xf32, #tpu.memory_space<vmem>>, %arg10: memref<128x64xf32, #tpu.memory_space<vmem>>, %arg11: memref<128x64xf32, #tpu.memory_space<vmem>>, %arg12: memref<128x64xf32, #tpu.memory_space<vmem>>, %arg13: memref<1x8x1x8x129xf32, #tpu.memory_space<vmem>>, %arg14: memref<1x8x1x8x129xf32, #tpu.memory_space<vmem>>, %arg15: memref<1x8x1x8x129xf32, #tpu.memory_space<vmem>>, %arg16: memref<1x8x1x8x129xf32, #tpu.memory_space<vmem>>, %arg17: memref<!tpu.dma_semaphore, #tpu.memory_space<semaphore_mem>>, %arg18: memref<!tpu.dma_semaphore, #tpu.memory_space<semaphore_mem>>, %arg19: memref<!tpu.dma_semaphore, #tpu.memory_space<semaphore_mem>>, %arg20: memref<!tpu.dma_semaphore, #tpu.memory_space<semaphore_mem>>, %arg21: memref<!tpu.dma_semaphore, #tpu.memory_space<semaphore_mem>>, %arg22: memref<!tpu.dma_semaphore, #tpu.memory_space<semaphore_mem>>) attributes {dimension_semantics = [#tpu.dimension_semantics<core_parallel>, #tpu.dimension_semantics<subcore_parallel>], iteration_bounds = array<i64: 2, 16>, scalar_prefetch = 0 : i64, scratch_operands = 17 : i64, tpu.core_type = #tpu.core_type<sc_vector_subcore>, window_params = [{transform_indices = #map}, {transform_indices = #map}, {transform_indices = #map}, {transform_indices = #map1}]} {
    %mul3A = arith.constant 2 : i32
    %mul3A_0 = arith.muli %arg1, %mul3A : i32
    %add3A = arith.addi %mul3A_0, %arg0 : i32
    %iota3A = tpu.iota {dimensions = array<i32: 0>} : vector<16xi32>
    %broadcast_in_dim3A = arith.constant 0 : i32
    %broadcast_in_dim3A_1 = vector.broadcast %broadcast_in_dim3A : i32 to vector<16xi32>
    %add3A_2 = arith.constant 0 : i32
    %add3A_3 = vector.broadcast %add3A_2 : i32 to vector<16xi32>
    %add3A_4 = arith.addi %iota3A, %add3A_3 : vector<16xi32>
    %add3A_5 = arith.constant 16 : i32
    %add3A_6 = vector.broadcast %add3A_5 : i32 to vector<16xi32>
    %add3A_7 = arith.addi %iota3A, %add3A_6 : vector<16xi32>
    %add3A_8 = arith.constant 32 : i32
    %add3A_9 = vector.broadcast %add3A_8 : i32 to vector<16xi32>
    %add3A_10 = arith.addi %iota3A, %add3A_9 : vector<16xi32>
    %add3A_11 = arith.constant 48 : i32
    %add3A_12 = vector.broadcast %add3A_11 : i32 to vector<16xi32>
    %add3A_13 = arith.addi %iota3A, %add3A_12 : vector<16xi32>
    %add3A_14 = arith.constant 64 : i32
    %add3A_15 = vector.broadcast %add3A_14 : i32 to vector<16xi32>
    %add3A_16 = arith.addi %iota3A, %add3A_15 : vector<16xi32>
    %add3A_17 = arith.constant 80 : i32
    %add3A_18 = vector.broadcast %add3A_17 : i32 to vector<16xi32>
    %add3A_19 = arith.addi %iota3A, %add3A_18 : vector<16xi32>
    %add3A_20 = arith.constant 96 : i32
    %add3A_21 = vector.broadcast %add3A_20 : i32 to vector<16xi32>
    %add3A_22 = arith.addi %iota3A, %add3A_21 : vector<16xi32>
    %add3A_23 = arith.constant 112 : i32
    %add3A_24 = vector.broadcast %add3A_23 : i32 to vector<16xi32>
    %add3A_25 = arith.addi %iota3A, %add3A_24 : vector<16xi32>
    %add3A_26 = arith.constant 0 : i32
    %add3A_27 = vector.broadcast %add3A_26 : i32 to vector<16xi32>
    %add3A_28 = arith.addi %add3A_27, %iota3A : vector<16xi32>
    %jit3A = arith.constant 8 : i32
    %div3A = vector.broadcast %jit3A : i32 to vector<16xi32>
    %div3A_29 = arith.divsi %add3A_28, %div3A : vector<16xi32>
    %sign3A = arith.constant 0 : i32
    %sign3A_30 = vector.broadcast %sign3A : i32 to vector<16xi32>
    %sign3A_31 = arith.cmpi sgt, %add3A_28, %sign3A_30 : vector<16xi32>
    %sign3A_32 = arith.extui %sign3A_31 : vector<16xi1> to vector<16xi32>
    %sign3A_33 = arith.constant 0 : i32
    %sign3A_34 = vector.broadcast %sign3A_33 : i32 to vector<16xi32>
    %sign3A_35 = arith.cmpi slt, %add3A_28, %sign3A_34 : vector<16xi32>
    %sign3A_36 = arith.extui %sign3A_35 : vector<16xi1> to vector<16xi32>
    %sign3A_37 = arith.subi %sign3A_32, %sign3A_36 : vector<16xi32>
    %sign3A_38 = arith.constant 0 : i32
    %sign3A_39 = arith.cmpi sgt, %jit3A, %sign3A_38 : i32
    %sign3A_40 = arith.extui %sign3A_39 : i1 to i32
    %sign3A_41 = arith.constant 0 : i32
    %sign3A_42 = arith.cmpi slt, %jit3A, %sign3A_41 : i32
    %sign3A_43 = arith.extui %sign3A_42 : i1 to i32
    %sign3A_44 = arith.subi %sign3A_40, %sign3A_43 : i32
    %ne3A = vector.broadcast %sign3A_44 : i32 to vector<16xi32>
    %ne3A_45 = arith.cmpi ne, %sign3A_37, %ne3A : vector<16xi32>
    %rem3A = vector.broadcast %jit3A : i32 to vector<16xi32>
    %rem3A_46 = arith.remsi %add3A_28, %rem3A : vector<16xi32>
    %ne3A_47 = arith.constant 0 : i32
    %ne3A_48 = vector.broadcast %ne3A_47 : i32 to vector<16xi32>
    %ne3A_49 = arith.cmpi ne, %rem3A_46, %ne3A_48 : vector<16xi32>
    %and3A = arith.andi %ne3A_45, %ne3A_49 : vector<16xi1>
    %sub3A = arith.constant 1 : i32
    %sub3A_50 = vector.broadcast %sub3A : i32 to vector<16xi32>
    %sub3A_51 = arith.subi %div3A_29, %sub3A_50 : vector<16xi32>
    %select_n3A = arith.select %and3A, %sub3A_51, %div3A_29 : vector<16xi1>, vector<16xi32>
    %add3A_52 = arith.constant 16 : i32
    %add3A_53 = vector.broadcast %add3A_52 : i32 to vector<16xi32>
    %add3A_54 = arith.addi %add3A_53, %iota3A : vector<16xi32>
    %jit3A_55 = arith.constant 8 : i32
    %div3A_56 = vector.broadcast %jit3A_55 : i32 to vector<16xi32>
    %div3A_57 = arith.divsi %add3A_54, %div3A_56 : vector<16xi32>
    %sign3A_58 = arith.constant 0 : i32
    %sign3A_59 = vector.broadcast %sign3A_58 : i32 to vector<16xi32>
    %sign3A_60 = arith.cmpi sgt, %add3A_54, %sign3A_59 : vector<16xi32>
    %sign3A_61 = arith.extui %sign3A_60 : vector<16xi1> to vector<16xi32>
    %sign3A_62 = arith.constant 0 : i32
    %sign3A_63 = vector.broadcast %sign3A_62 : i32 to vector<16xi32>
    %sign3A_64 = arith.cmpi slt, %add3A_54, %sign3A_63 : vector<16xi32>
    %sign3A_65 = arith.extui %sign3A_64 : vector<16xi1> to vector<16xi32>
    %sign3A_66 = arith.subi %sign3A_61, %sign3A_65 : vector<16xi32>
    %sign3A_67 = arith.constant 0 : i32
    %sign3A_68 = arith.cmpi sgt, %jit3A_55, %sign3A_67 : i32
    %sign3A_69 = arith.extui %sign3A_68 : i1 to i32
    %sign3A_70 = arith.constant 0 : i32
    %sign3A_71 = arith.cmpi slt, %jit3A_55, %sign3A_70 : i32
    %sign3A_72 = arith.extui %sign3A_71 : i1 to i32
    %sign3A_73 = arith.subi %sign3A_69, %sign3A_72 : i32
    %ne3A_74 = vector.broadcast %sign3A_73 : i32 to vector<16xi32>
    %ne3A_75 = arith.cmpi ne, %sign3A_66, %ne3A_74 : vector<16xi32>
    %rem3A_76 = vector.broadcast %jit3A_55 : i32 to vector<16xi32>
    %rem3A_77 = arith.remsi %add3A_54, %rem3A_76 : vector<16xi32>
    %ne3A_78 = arith.constant 0 : i32
    %ne3A_79 = vector.broadcast %ne3A_78 : i32 to vector<16xi32>
    %ne3A_80 = arith.cmpi ne, %rem3A_77, %ne3A_79 : vector<16xi32>
    %and3A_81 = arith.andi %ne3A_75, %ne3A_80 : vector<16xi1>
    %sub3A_82 = arith.constant 1 : i32
    %sub3A_83 = vector.broadcast %sub3A_82 : i32 to vector<16xi32>
    %sub3A_84 = arith.subi %div3A_57, %sub3A_83 : vector<16xi32>
    %select_n3A_85 = arith.select %and3A_81, %sub3A_84, %div3A_57 : vector<16xi1>, vector<16xi32>
    %add3A_86 = arith.constant 32 : i32
    %add3A_87 = vector.broadcast %add3A_86 : i32 to vector<16xi32>
    %add3A_88 = arith.addi %add3A_87, %iota3A : vector<16xi32>
    %jit3A_89 = arith.constant 8 : i32
    %div3A_90 = vector.broadcast %jit3A_89 : i32 to vector<16xi32>
    %div3A_91 = arith.divsi %add3A_88, %div3A_90 : vector<16xi32>
    %sign3A_92 = arith.constant 0 : i32
    %sign3A_93 = vector.broadcast %sign3A_92 : i32 to vector<16xi32>
    %sign3A_94 = arith.cmpi sgt, %add3A_88, %sign3A_93 : vector<16xi32>
    %sign3A_95 = arith.extui %sign3A_94 : vector<16xi1> to vector<16xi32>
    %sign3A_96 = arith.constant 0 : i32
    %sign3A_97 = vector.broadcast %sign3A_96 : i32 to vector<16xi32>
    %sign3A_98 = arith.cmpi slt, %add3A_88, %sign3A_97 : vector<16xi32>
    %sign3A_99 = arith.extui %sign3A_98 : vector<16xi1> to vector<16xi32>
    %sign3A_100 = arith.subi %sign3A_95, %sign3A_99 : vector<16xi32>
    %sign3A_101 = arith.constant 0 : i32
    %sign3A_102 = arith.cmpi sgt, %jit3A_89, %sign3A_101 : i32
    %sign3A_103 = arith.extui %sign3A_102 : i1 to i32
    %sign3A_104 = arith.constant 0 : i32
    %sign3A_105 = arith.cmpi slt, %jit3A_89, %sign3A_104 : i32
    %sign3A_106 = arith.extui %sign3A_105 : i1 to i32
    %sign3A_107 = arith.subi %sign3A_103, %sign3A_106 : i32
    %ne3A_108 = vector.broadcast %sign3A_107 : i32 to vector<16xi32>
    %ne3A_109 = arith.cmpi ne, %sign3A_100, %ne3A_108 : vector<16xi32>
    %rem3A_110 = vector.broadcast %jit3A_89 : i32 to vector<16xi32>
    %rem3A_111 = arith.remsi %add3A_88, %rem3A_110 : vector<16xi32>
    %ne3A_112 = arith.constant 0 : i32
    %ne3A_113 = vector.broadcast %ne3A_112 : i32 to vector<16xi32>
    %ne3A_114 = arith.cmpi ne, %rem3A_111, %ne3A_113 : vector<16xi32>
    %and3A_115 = arith.andi %ne3A_109, %ne3A_114 : vector<16xi1>
    %sub3A_116 = arith.constant 1 : i32
    %sub3A_117 = vector.broadcast %sub3A_116 : i32 to vector<16xi32>
    %sub3A_118 = arith.subi %div3A_91, %sub3A_117 : vector<16xi32>
    %select_n3A_119 = arith.select %and3A_115, %sub3A_118, %div3A_91 : vector<16xi1>, vector<16xi32>
    %add3A_120 = arith.constant 48 : i32
    %add3A_121 = vector.broadcast %add3A_120 : i32 to vector<16xi32>
    %add3A_122 = arith.addi %add3A_121, %iota3A : vector<16xi32>
    %jit3A_123 = arith.constant 8 : i32
    %div3A_124 = vector.broadcast %jit3A_123 : i32 to vector<16xi32>
    %div3A_125 = arith.divsi %add3A_122, %div3A_124 : vector<16xi32>
    %sign3A_126 = arith.constant 0 : i32
    %sign3A_127 = vector.broadcast %sign3A_126 : i32 to vector<16xi32>
    %sign3A_128 = arith.cmpi sgt, %add3A_122, %sign3A_127 : vector<16xi32>
    %sign3A_129 = arith.extui %sign3A_128 : vector<16xi1> to vector<16xi32>
    %sign3A_130 = arith.constant 0 : i32
    %sign3A_131 = vector.broadcast %sign3A_130 : i32 to vector<16xi32>
    %sign3A_132 = arith.cmpi slt, %add3A_122, %sign3A_131 : vector<16xi32>
    %sign3A_133 = arith.extui %sign3A_132 : vector<16xi1> to vector<16xi32>
    %sign3A_134 = arith.subi %sign3A_129, %sign3A_133 : vector<16xi32>
    %sign3A_135 = arith.constant 0 : i32
    %sign3A_136 = arith.cmpi sgt, %jit3A_123, %sign3A_135 : i32
    %sign3A_137 = arith.extui %sign3A_136 : i1 to i32
    %sign3A_138 = arith.constant 0 : i32
    %sign3A_139 = arith.cmpi slt, %jit3A_123, %sign3A_138 : i32
    %sign3A_140 = arith.extui %sign3A_139 : i1 to i32
    %sign3A_141 = arith.subi %sign3A_137, %sign3A_140 : i32
    %ne3A_142 = vector.broadcast %sign3A_141 : i32 to vector<16xi32>
    %ne3A_143 = arith.cmpi ne, %sign3A_134, %ne3A_142 : vector<16xi32>
    %rem3A_144 = vector.broadcast %jit3A_123 : i32 to vector<16xi32>
    %rem3A_145 = arith.remsi %add3A_122, %rem3A_144 : vector<16xi32>
    %ne3A_146 = arith.constant 0 : i32
    %ne3A_147 = vector.broadcast %ne3A_146 : i32 to vector<16xi32>
    %ne3A_148 = arith.cmpi ne, %rem3A_145, %ne3A_147 : vector<16xi32>
    %and3A_149 = arith.andi %ne3A_143, %ne3A_148 : vector<16xi1>
    %sub3A_150 = arith.constant 1 : i32
    %sub3A_151 = vector.broadcast %sub3A_150 : i32 to vector<16xi32>
    %sub3A_152 = arith.subi %div3A_125, %sub3A_151 : vector<16xi32>
    %select_n3A_153 = arith.select %and3A_149, %sub3A_152, %div3A_125 : vector<16xi1>, vector<16xi32>
    %add3A_154 = arith.constant 0 : i32
    %add3A_155 = vector.broadcast %add3A_154 : i32 to vector<16xi32>
    %add3A_156 = arith.addi %add3A_155, %iota3A : vector<16xi32>
    %jit3A_157 = arith.constant 8 : i32
    %eq3A = arith.constant 0 : i32
    %eq3A_158 = arith.cmpi eq, %jit3A_157, %eq3A : i32
    %jit3A_159 = arith.constant 1 : i32
    %select_n3A_160 = arith.select %eq3A_158, %jit3A_159, %jit3A_157 : i32
    %rem3A_161 = vector.broadcast %select_n3A_160 : i32 to vector<16xi32>
    %rem3A_162 = arith.remsi %add3A_156, %rem3A_161 : vector<16xi32>
    %ne3A_163 = arith.constant 0 : i32
    %ne3A_164 = vector.broadcast %ne3A_163 : i32 to vector<16xi32>
    %ne3A_165 = arith.cmpi ne, %rem3A_162, %ne3A_164 : vector<16xi32>
    %lt3A = arith.constant 0 : i32
    %lt3A_166 = vector.broadcast %lt3A : i32 to vector<16xi32>
    %lt3A_167 = arith.cmpi slt, %rem3A_162, %lt3A_166 : vector<16xi32>
    %lt3A_168 = arith.constant 0 : i32
    %lt3A_169 = arith.cmpi slt, %select_n3A_160, %lt3A_168 : i32
    %ne3A_170 = vector.broadcast %lt3A_169 : i1 to vector<16xi1>
    %ne3A_171 = vector.broadcast %ne3A_170 : vector<16xi1> to vector<16xi1>
    %ne3A_172 = arith.xori %lt3A_167, %ne3A_171 : vector<16xi1>
    %and3A_173 = arith.andi %ne3A_172, %ne3A_165 : vector<16xi1>
    %add3A_174 = vector.broadcast %select_n3A_160 : i32 to vector<16xi32>
    %add3A_175 = arith.addi %rem3A_162, %add3A_174 : vector<16xi32>
    %select_n3A_176 = arith.select %and3A_173, %add3A_175, %rem3A_162 : vector<16xi1>, vector<16xi32>
    %add3A_177 = arith.constant 16 : i32
    %add3A_178 = vector.broadcast %add3A_177 : i32 to vector<16xi32>
    %add3A_179 = arith.addi %add3A_178, %iota3A : vector<16xi32>
    %jit3A_180 = arith.constant 8 : i32
    %eq3A_181 = arith.constant 0 : i32
    %eq3A_182 = arith.cmpi eq, %jit3A_180, %eq3A_181 : i32
    %jit3A_183 = arith.constant 1 : i32
    %select_n3A_184 = arith.select %eq3A_182, %jit3A_183, %jit3A_180 : i32
    %rem3A_185 = vector.broadcast %select_n3A_184 : i32 to vector<16xi32>
    %rem3A_186 = arith.remsi %add3A_179, %rem3A_185 : vector<16xi32>
    %ne3A_187 = arith.constant 0 : i32
    %ne3A_188 = vector.broadcast %ne3A_187 : i32 to vector<16xi32>
    %ne3A_189 = arith.cmpi ne, %rem3A_186, %ne3A_188 : vector<16xi32>
    %lt3A_190 = arith.constant 0 : i32
    %lt3A_191 = vector.broadcast %lt3A_190 : i32 to vector<16xi32>
    %lt3A_192 = arith.cmpi slt, %rem3A_186, %lt3A_191 : vector<16xi32>
    %lt3A_193 = arith.constant 0 : i32
    %lt3A_194 = arith.cmpi slt, %select_n3A_184, %lt3A_193 : i32
    %ne3A_195 = vector.broadcast %lt3A_194 : i1 to vector<16xi1>
    %ne3A_196 = vector.broadcast %ne3A_195 : vector<16xi1> to vector<16xi1>
    %ne3A_197 = arith.xori %lt3A_192, %ne3A_196 : vector<16xi1>
    %and3A_198 = arith.andi %ne3A_197, %ne3A_189 : vector<16xi1>
    %add3A_199 = vector.broadcast %select_n3A_184 : i32 to vector<16xi32>
    %add3A_200 = arith.addi %rem3A_186, %add3A_199 : vector<16xi32>
    %select_n3A_201 = arith.select %and3A_198, %add3A_200, %rem3A_186 : vector<16xi1>, vector<16xi32>
    %add3A_202 = arith.constant 32 : i32
    %add3A_203 = vector.broadcast %add3A_202 : i32 to vector<16xi32>
    %add3A_204 = arith.addi %add3A_203, %iota3A : vector<16xi32>
    %jit3A_205 = arith.constant 8 : i32
    %eq3A_206 = arith.constant 0 : i32
    %eq3A_207 = arith.cmpi eq, %jit3A_205, %eq3A_206 : i32
    %jit3A_208 = arith.constant 1 : i32
    %select_n3A_209 = arith.select %eq3A_207, %jit3A_208, %jit3A_205 : i32
    %rem3A_210 = vector.broadcast %select_n3A_209 : i32 to vector<16xi32>
    %rem3A_211 = arith.remsi %add3A_204, %rem3A_210 : vector<16xi32>
    %ne3A_212 = arith.constant 0 : i32
    %ne3A_213 = vector.broadcast %ne3A_212 : i32 to vector<16xi32>
    %ne3A_214 = arith.cmpi ne, %rem3A_211, %ne3A_213 : vector<16xi32>
    %lt3A_215 = arith.constant 0 : i32
    %lt3A_216 = vector.broadcast %lt3A_215 : i32 to vector<16xi32>
    %lt3A_217 = arith.cmpi slt, %rem3A_211, %lt3A_216 : vector<16xi32>
    %lt3A_218 = arith.constant 0 : i32
    %lt3A_219 = arith.cmpi slt, %select_n3A_209, %lt3A_218 : i32
    %ne3A_220 = vector.broadcast %lt3A_219 : i1 to vector<16xi1>
    %ne3A_221 = vector.broadcast %ne3A_220 : vector<16xi1> to vector<16xi1>
    %ne3A_222 = arith.xori %lt3A_217, %ne3A_221 : vector<16xi1>
    %and3A_223 = arith.andi %ne3A_222, %ne3A_214 : vector<16xi1>
    %add3A_224 = vector.broadcast %select_n3A_209 : i32 to vector<16xi32>
    %add3A_225 = arith.addi %rem3A_211, %add3A_224 : vector<16xi32>
    %select_n3A_226 = arith.select %and3A_223, %add3A_225, %rem3A_211 : vector<16xi1>, vector<16xi32>
    %add3A_227 = arith.constant 48 : i32
    %add3A_228 = vector.broadcast %add3A_227 : i32 to vector<16xi32>
    %add3A_229 = arith.addi %add3A_228, %iota3A : vector<16xi32>
    %jit3A_230 = arith.constant 8 : i32
    %eq3A_231 = arith.constant 0 : i32
    %eq3A_232 = arith.cmpi eq, %jit3A_230, %eq3A_231 : i32
    %jit3A_233 = arith.constant 1 : i32
    %select_n3A_234 = arith.select %eq3A_232, %jit3A_233, %jit3A_230 : i32
    %rem3A_235 = vector.broadcast %select_n3A_234 : i32 to vector<16xi32>
    %rem3A_236 = arith.remsi %add3A_229, %rem3A_235 : vector<16xi32>
    %ne3A_237 = arith.constant 0 : i32
    %ne3A_238 = vector.broadcast %ne3A_237 : i32 to vector<16xi32>
    %ne3A_239 = arith.cmpi ne, %rem3A_236, %ne3A_238 : vector<16xi32>
    %lt3A_240 = arith.constant 0 : i32
    %lt3A_241 = vector.broadcast %lt3A_240 : i32 to vector<16xi32>
    %lt3A_242 = arith.cmpi slt, %rem3A_236, %lt3A_241 : vector<16xi32>
    %lt3A_243 = arith.constant 0 : i32
    %lt3A_244 = arith.cmpi slt, %select_n3A_234, %lt3A_243 : i32
    %ne3A_245 = vector.broadcast %lt3A_244 : i1 to vector<16xi1>
    %ne3A_246 = vector.broadcast %ne3A_245 : vector<16xi1> to vector<16xi1>
    %ne3A_247 = arith.xori %lt3A_242, %ne3A_246 : vector<16xi1>
    %and3A_248 = arith.andi %ne3A_247, %ne3A_239 : vector<16xi1>
    %add3A_249 = vector.broadcast %select_n3A_234 : i32 to vector<16xi32>
    %add3A_250 = arith.addi %rem3A_236, %add3A_249 : vector<16xi32>
    %select_n3A_251 = arith.select %and3A_248, %add3A_250, %rem3A_236 : vector<16xi1>, vector<16xi32>
    "tpu.region"() ({
      %run_scoped3A = tpu.sem_alloc : memref<!tpu.dma_semaphore, #tpu.memory_space<semaphore_mem>>
      tpu.enqueue_dma source(%arg3 : memref<50x64xf32, #tpu.memory_space<hbm>>) target(%arg8 : memref<50x64xf32, #tpu.memory_space<vmem>>) target_semaphore(%run_scoped3A : memref<!tpu.dma_semaphore, #tpu.memory_space<semaphore_mem>>)
      tpu.wait_dma2 semaphore(%run_scoped3A : memref<!tpu.dma_semaphore, #tpu.memory_space<semaphore_mem>>) src(%arg3 : memref<50x64xf32, #tpu.memory_space<hbm>>) dst(%arg8 : memref<50x64xf32, #tpu.memory_space<vmem>>)
      tpu.yield
    }) : () -> ()
    %rem3A_252 = arith.constant 0 : i32
    %rem3A_253 = arith.constant 100 : i32
    %rem3A_254 = arith.remsi %rem3A_252, %rem3A_253 : i32
    %jit3A_255 = arith.constant 25 : i32
    %div3A_256 = arith.divsi %rem3A_254, %jit3A_255 : i32
    %sign3A_257 = arith.constant 0 : i32
    %sign3A_258 = arith.cmpi sgt, %rem3A_254, %sign3A_257 : i32
    %sign3A_259 = arith.extui %sign3A_258 : i1 to i32
    %sign3A_260 = arith.constant 0 : i32
    %sign3A_261 = arith.cmpi slt, %rem3A_254, %sign3A_260 : i32
    %sign3A_262 = arith.extui %sign3A_261 : i1 to i32
    %sign3A_263 = arith.subi %sign3A_259, %sign3A_262 : i32
    %sign3A_264 = arith.constant 0 : i32
    %sign3A_265 = arith.cmpi sgt, %jit3A_255, %sign3A_264 : i32
    %sign3A_266 = arith.extui %sign3A_265 : i1 to i32
    %sign3A_267 = arith.constant 0 : i32
    %sign3A_268 = arith.cmpi slt, %jit3A_255, %sign3A_267 : i32
    %sign3A_269 = arith.extui %sign3A_268 : i1 to i32
    %sign3A_270 = arith.subi %sign3A_266, %sign3A_269 : i32
    %ne3A_271 = arith.cmpi ne, %sign3A_263, %sign3A_270 : i32
    %rem3A_272 = arith.remsi %rem3A_254, %jit3A_255 : i32
    %ne3A_273 = arith.constant 0 : i32
    %ne3A_274 = arith.cmpi ne, %rem3A_272, %ne3A_273 : i32
    %and3A_275 = arith.andi %ne3A_271, %ne3A_274 : i1
    %sub3A_276 = arith.constant 1 : i32
    %sub3A_277 = arith.subi %div3A_256, %sub3A_276 : i32
    %select_n3A_278 = arith.select %and3A_275, %sub3A_277, %div3A_256 : i32
    %rem3A_279 = arith.constant 25 : i32
    %rem3A_280 = arith.remsi %rem3A_254, %rem3A_279 : i32
    %mul3A_281 = arith.constant 2 : i32
    %mul3A_282 = arith.muli %rem3A_280, %mul3A_281 : i32
    %mul3A_283 = arith.constant 4 : i32
    %mul3A_284 = arith.muli %add3A, %mul3A_283 : i32
    %add3A_285 = arith.addi %mul3A_284, %select_n3A_278 : i32
    %mul3A_286 = arith.constant 128 : i32
    %mul3A_287 = arith.muli %add3A_285, %mul3A_286 : i32
    %dma_start3A = tpu.memref_slice %arg2[%mul3A_282, %mul3A_287] : memref<50x16384xi32, #tpu.memory_space<hbm>> -> memref<2x128xi32, #tpu.memory_space<hbm>>
    %dma_start3A_288 = tpu.memref_slice %arg2[%mul3A_282, %mul3A_287] : memref<50x16384xi32, #tpu.memory_space<hbm>> -> memref<2x128xi32, #tpu.memory_space<hbm>>
    tpu.enqueue_dma source(%dma_start3A_288 : memref<2x128xi32, #tpu.memory_space<hbm>>) target(%arg6 : memref<2x128xi32, #tpu.memory_space<vmem>>) target_semaphore(%arg21 : memref<!tpu.dma_semaphore, #tpu.memory_space<semaphore_mem>>)
    %dma_wait3A = tpu.memref_slice %arg2[%mul3A_282, %mul3A_287] : memref<50x16384xi32, #tpu.memory_space<hbm>> -> memref<2x128xi32, #tpu.memory_space<hbm>>
    %dma_wait3A_289 = tpu.memref_slice %arg2[%mul3A_282, %mul3A_287] : memref<50x16384xi32, #tpu.memory_space<hbm>> -> memref<2x128xi32, #tpu.memory_space<hbm>>
    tpu.wait_dma2 semaphore(%arg21 : memref<!tpu.dma_semaphore, #tpu.memory_space<semaphore_mem>>) src(%dma_wait3A_289 : memref<2x128xi32, #tpu.memory_space<hbm>>) dst(%arg6 : memref<2x128xi32, #tpu.memory_space<vmem>>)
    %rem3A_290 = arith.constant 1 : i32
    %rem3A_291 = arith.constant 100 : i32
    %rem3A_292 = arith.remsi %rem3A_290, %rem3A_291 : i32
    %jit3A_293 = arith.constant 25 : i32
    %div3A_294 = arith.divsi %rem3A_292, %jit3A_293 : i32
    %sign3A_295 = arith.constant 0 : i32
    %sign3A_296 = arith.cmpi sgt, %rem3A_292, %sign3A_295 : i32
    %sign3A_297 = arith.extui %sign3A_296 : i1 to i32
    %sign3A_298 = arith.constant 0 : i32
    %sign3A_299 = arith.cmpi slt, %rem3A_292, %sign3A_298 : i32
    %sign3A_300 = arith.extui %sign3A_299 : i1 to i32
    %sign3A_301 = arith.subi %sign3A_297, %sign3A_300 : i32
    %sign3A_302 = arith.constant 0 : i32
    %sign3A_303 = arith.cmpi sgt, %jit3A_293, %sign3A_302 : i32
    %sign3A_304 = arith.extui %sign3A_303 : i1 to i32
    %sign3A_305 = arith.constant 0 : i32
    %sign3A_306 = arith.cmpi slt, %jit3A_293, %sign3A_305 : i32
    %sign3A_307 = arith.extui %sign3A_306 : i1 to i32
    %sign3A_308 = arith.subi %sign3A_304, %sign3A_307 : i32
    %ne3A_309 = arith.cmpi ne, %sign3A_301, %sign3A_308 : i32
    %rem3A_310 = arith.remsi %rem3A_292, %jit3A_293 : i32
    %ne3A_311 = arith.constant 0 : i32
    %ne3A_312 = arith.cmpi ne, %rem3A_310, %ne3A_311 : i32
    %and3A_313 = arith.andi %ne3A_309, %ne3A_312 : i1
    %sub3A_314 = arith.constant 1 : i32
    %sub3A_315 = arith.subi %div3A_294, %sub3A_314 : i32
    %select_n3A_316 = arith.select %and3A_313, %sub3A_315, %div3A_294 : i32
    %rem3A_317 = arith.constant 25 : i32
    %rem3A_318 = arith.remsi %rem3A_292, %rem3A_317 : i32
    %mul3A_319 = arith.constant 2 : i32
    %mul3A_320 = arith.muli %rem3A_318, %mul3A_319 : i32
    %mul3A_321 = arith.constant 4 : i32
    %mul3A_322 = arith.muli %add3A, %mul3A_321 : i32
    %add3A_323 = arith.addi %mul3A_322, %select_n3A_316 : i32
    %mul3A_324 = arith.constant 128 : i32
    %mul3A_325 = arith.muli %add3A_323, %mul3A_324 : i32
    %dma_start3A_326 = tpu.memref_slice %arg2[%mul3A_320, %mul3A_325] : memref<50x16384xi32, #tpu.memory_space<hbm>> -> memref<2x128xi32, #tpu.memory_space<hbm>>
    %dma_start3A_327 = tpu.memref_slice %arg2[%mul3A_320, %mul3A_325] : memref<50x16384xi32, #tpu.memory_space<hbm>> -> memref<2x128xi32, #tpu.memory_space<hbm>>
    tpu.enqueue_dma source(%dma_start3A_327 : memref<2x128xi32, #tpu.memory_space<hbm>>) target(%arg7 : memref<2x128xi32, #tpu.memory_space<vmem>>) target_semaphore(%arg22 : memref<!tpu.dma_semaphore, #tpu.memory_space<semaphore_mem>>)
    %dma_wait3A_328 = tpu.memref_slice %arg2[%mul3A_320, %mul3A_325] : memref<50x16384xi32, #tpu.memory_space<hbm>> -> memref<2x128xi32, #tpu.memory_space<hbm>>
    %dma_wait3A_329 = tpu.memref_slice %arg2[%mul3A_320, %mul3A_325] : memref<50x16384xi32, #tpu.memory_space<hbm>> -> memref<2x128xi32, #tpu.memory_space<hbm>>
    tpu.wait_dma2 semaphore(%arg22 : memref<!tpu.dma_semaphore, #tpu.memory_space<semaphore_mem>>) src(%dma_wait3A_329 : memref<2x128xi32, #tpu.memory_space<hbm>>) dst(%arg7 : memref<2x128xi32, #tpu.memory_space<vmem>>)
    %dma_start3A_330 = arith.constant 0 : i32
    %dma_start3A_331 = arith.constant 0 : i32
    %dma_start3A_332 = tpu.memref_slice %arg6[%dma_start3A_330, %dma_start3A_331] : memref<2x128xi32, #tpu.memory_space<vmem>> -> memref<1x128xi32, #tpu.memory_space<vmem>>
    %dma_start3A_333 = tpu.memref_squeeze %dma_start3A_332 : memref<1x128xi32, #tpu.memory_space<vmem>> -> memref<128xi32, #tpu.memory_space<vmem>>
    %dma_start3A_334 = arith.constant 0 : i32
    %dma_start3A_335 = arith.constant 0 : i32
    %dma_start3A_336 = tpu.memref_slice %arg4[%dma_start3A_334, %dma_start3A_335] : memref<1000000x64xf32, #tpu.memory_space<hbm>> -> memref<1000000x64xf32, #tpu.memory_space<hbm>>
    tpu.enqueue_indirect_dma source(%dma_start3A_336 : memref<1000000x64xf32, #tpu.memory_space<hbm>>) target(%arg9 : memref<128x64xf32, #tpu.memory_space<vmem>>) offsets(%dma_start3A_333 : memref<128xi32, #tpu.memory_space<vmem>>) semaphore(%arg17 : memref<!tpu.dma_semaphore, #tpu.memory_space<semaphore_mem>>)
    %dma_start3A_337 = arith.constant 1 : i32
    %dma_start3A_338 = arith.constant 0 : i32
    %dma_start3A_339 = tpu.memref_slice %arg6[%dma_start3A_337, %dma_start3A_338] : memref<2x128xi32, #tpu.memory_space<vmem>> -> memref<1x128xi32, #tpu.memory_space<vmem>>
    %dma_start3A_340 = tpu.memref_squeeze %dma_start3A_339 : memref<1x128xi32, #tpu.memory_space<vmem>> -> memref<128xi32, #tpu.memory_space<vmem>>
    %dma_start3A_341 = arith.constant 0 : i32
    %dma_start3A_342 = arith.constant 0 : i32
    %dma_start3A_343 = tpu.memref_slice %arg4[%dma_start3A_341, %dma_start3A_342] : memref<1000000x64xf32, #tpu.memory_space<hbm>> -> memref<1000000x64xf32, #tpu.memory_space<hbm>>
    tpu.enqueue_indirect_dma source(%dma_start3A_343 : memref<1000000x64xf32, #tpu.memory_space<hbm>>) target(%arg10 : memref<128x64xf32, #tpu.memory_space<vmem>>) offsets(%dma_start3A_340 : memref<128xi32, #tpu.memory_space<vmem>>) semaphore(%arg17 : memref<!tpu.dma_semaphore, #tpu.memory_space<semaphore_mem>>)
    %dma_start3A_344 = arith.constant 0 : i32
    %dma_start3A_345 = arith.constant 0 : i32
    %dma_start3A_346 = tpu.memref_slice %arg7[%dma_start3A_344, %dma_start3A_345] : memref<2x128xi32, #tpu.memory_space<vmem>> -> memref<1x128xi32, #tpu.memory_space<vmem>>
    %dma_start3A_347 = tpu.memref_squeeze %dma_start3A_346 : memref<1x128xi32, #tpu.memory_space<vmem>> -> memref<128xi32, #tpu.memory_space<vmem>>
    %dma_start3A_348 = arith.constant 0 : i32
    %dma_start3A_349 = arith.constant 0 : i32
    %dma_start3A_350 = tpu.memref_slice %arg4[%dma_start3A_348, %dma_start3A_349] : memref<1000000x64xf32, #tpu.memory_space<hbm>> -> memref<1000000x64xf32, #tpu.memory_space<hbm>>
    tpu.enqueue_indirect_dma source(%dma_start3A_350 : memref<1000000x64xf32, #tpu.memory_space<hbm>>) target(%arg11 : memref<128x64xf32, #tpu.memory_space<vmem>>) offsets(%dma_start3A_347 : memref<128xi32, #tpu.memory_space<vmem>>) semaphore(%arg18 : memref<!tpu.dma_semaphore, #tpu.memory_space<semaphore_mem>>)
    %dma_start3A_351 = arith.constant 1 : i32
    %dma_start3A_352 = arith.constant 0 : i32
    %dma_start3A_353 = tpu.memref_slice %arg7[%dma_start3A_351, %dma_start3A_352] : memref<2x128xi32, #tpu.memory_space<vmem>> -> memref<1x128xi32, #tpu.memory_space<vmem>>
    %dma_start3A_354 = tpu.memref_squeeze %dma_start3A_353 : memref<1x128xi32, #tpu.memory_space<vmem>> -> memref<128xi32, #tpu.memory_space<vmem>>
    %dma_start3A_355 = arith.constant 0 : i32
    %dma_start3A_356 = arith.constant 0 : i32
    %dma_start3A_357 = tpu.memref_slice %arg4[%dma_start3A_355, %dma_start3A_356] : memref<1000000x64xf32, #tpu.memory_space<hbm>> -> memref<1000000x64xf32, #tpu.memory_space<hbm>>
    tpu.enqueue_indirect_dma source(%dma_start3A_357 : memref<1000000x64xf32, #tpu.memory_space<hbm>>) target(%arg12 : memref<128x64xf32, #tpu.memory_space<vmem>>) offsets(%dma_start3A_354 : memref<128xi32, #tpu.memory_space<vmem>>) semaphore(%arg18 : memref<!tpu.dma_semaphore, #tpu.memory_space<semaphore_mem>>)
    %scan3A = arith.constant 0 : i32
    %scan3A_358 = arith.constant 0 : i32
    %scan3A_359 = arith.constant 50 : i32
    %scan3A_360 = arith.addi %scan3A_358, %scan3A_359 : i32
    %scan3A_361 = arith.constant 1 : i32
    scf.for %scan3A_483 = %scan3A_358 to %scan3A_360 step %scan3A_361  : i32 {
      %mul3A_484 = arith.constant 2 : i32
      %mul3A_485 = arith.muli %mul3A_484, %scan3A_483 : i32
      %add3A_486 = arith.constant 0 : i32
      %add3A_487 = arith.addi %mul3A_485, %add3A_486 : i32
      %rem3A_488 = arith.constant 100 : i32
      %rem3A_489 = arith.remsi %add3A_487, %rem3A_488 : i32
      %jit3A_490 = arith.constant 25 : i32
      %div3A_491 = arith.divsi %rem3A_489, %jit3A_490 : i32
      %sign3A_492 = arith.constant 0 : i32
      %sign3A_493 = arith.cmpi sgt, %rem3A_489, %sign3A_492 : i32
      %sign3A_494 = arith.extui %sign3A_493 : i1 to i32
      %sign3A_495 = arith.constant 0 : i32
      %sign3A_496 = arith.cmpi slt, %rem3A_489, %sign3A_495 : i32
      %sign3A_497 = arith.extui %sign3A_496 : i1 to i32
      %sign3A_498 = arith.subi %sign3A_494, %sign3A_497 : i32
      %sign3A_499 = arith.constant 0 : i32
      %sign3A_500 = arith.cmpi sgt, %jit3A_490, %sign3A_499 : i32
      %sign3A_501 = arith.extui %sign3A_500 : i1 to i32
      %sign3A_502 = arith.constant 0 : i32
      %sign3A_503 = arith.cmpi slt, %jit3A_490, %sign3A_502 : i32
      %sign3A_504 = arith.extui %sign3A_503 : i1 to i32
      %sign3A_505 = arith.subi %sign3A_501, %sign3A_504 : i32
      %ne3A_506 = arith.cmpi ne, %sign3A_498, %sign3A_505 : i32
      %rem3A_507 = arith.remsi %rem3A_489, %jit3A_490 : i32
      %ne3A_508 = arith.constant 0 : i32
      %ne3A_509 = arith.cmpi ne, %rem3A_507, %ne3A_508 : i32
      %and3A_510 = arith.andi %ne3A_506, %ne3A_509 : i1
      %sub3A_511 = arith.constant 1 : i32
      %sub3A_512 = arith.subi %div3A_491, %sub3A_511 : i32
      %select_n3A_513 = arith.select %and3A_510, %sub3A_512, %div3A_491 : i32
      %rem3A_514 = arith.constant 25 : i32
      %rem3A_515 = arith.remsi %rem3A_489, %rem3A_514 : i32
      %mul3A_516 = arith.constant 2 : i32
      %mul3A_517 = arith.muli %rem3A_515, %mul3A_516 : i32
      %mul3A_518 = arith.constant 4 : i32
      %mul3A_519 = arith.muli %add3A, %mul3A_518 : i32
      %add3A_520 = arith.addi %mul3A_519, %select_n3A_513 : i32
      %dma_wait3A_521 = arith.constant 0 : i32
      %dma_wait3A_522 = arith.constant 0 : i32
      %dma_wait3A_523 = tpu.memref_slice %arg4[%dma_wait3A_521, %dma_wait3A_522] : memref<1000000x64xf32, #tpu.memory_space<hbm>> -> memref<128x64xf32, #tpu.memory_space<hbm>>
      %dma_wait3A_524 = arith.constant 0 : i32
      %dma_wait3A_525 = arith.constant 0 : i32
      %dma_wait3A_526 = tpu.memref_slice %arg4[%dma_wait3A_524, %dma_wait3A_525] : memref<1000000x64xf32, #tpu.memory_space<hbm>> -> memref<128x64xf32, #tpu.memory_space<hbm>>
      tpu.wait_dma2 semaphore(%arg17 : memref<!tpu.dma_semaphore, #tpu.memory_space<semaphore_mem>>) src(%dma_wait3A_526 : memref<128x64xf32, #tpu.memory_space<hbm>>) dst(%arg9 : memref<128x64xf32, #tpu.memory_space<vmem>>)
      %dma_wait3A_527 = arith.constant 0 : i32
      %dma_wait3A_528 = arith.constant 0 : i32
      %dma_wait3A_529 = tpu.memref_slice %arg4[%dma_wait3A_527, %dma_wait3A_528] : memref<1000000x64xf32, #tpu.memory_space<hbm>> -> memref<128x64xf32, #tpu.memory_space<hbm>>
      %dma_wait3A_530 = arith.constant 0 : i32
      %dma_wait3A_531 = arith.constant 0 : i32
      %dma_wait3A_532 = tpu.memref_slice %arg4[%dma_wait3A_530, %dma_wait3A_531] : memref<1000000x64xf32, #tpu.memory_space<hbm>> -> memref<128x64xf32, #tpu.memory_space<hbm>>
      tpu.wait_dma2 semaphore(%arg17 : memref<!tpu.dma_semaphore, #tpu.memory_space<semaphore_mem>>) src(%dma_wait3A_532 : memref<128x64xf32, #tpu.memory_space<hbm>>) dst(%arg10 : memref<128x64xf32, #tpu.memory_space<vmem>>)
      %add3A_533 = arith.constant 2 : i32
      %add3A_534 = arith.addi %add3A_487, %add3A_533 : i32
      %rem3A_535 = arith.constant 100 : i32
      %rem3A_536 = arith.remsi %add3A_534, %rem3A_535 : i32
      %jit3A_537 = arith.constant 25 : i32
      %div3A_538 = arith.divsi %rem3A_536, %jit3A_537 : i32
      %sign3A_539 = arith.constant 0 : i32
      %sign3A_540 = arith.cmpi sgt, %rem3A_536, %sign3A_539 : i32
      %sign3A_541 = arith.extui %sign3A_540 : i1 to i32
      %sign3A_542 = arith.constant 0 : i32
      %sign3A_543 = arith.cmpi slt, %rem3A_536, %sign3A_542 : i32
      %sign3A_544 = arith.extui %sign3A_543 : i1 to i32
      %sign3A_545 = arith.subi %sign3A_541, %sign3A_544 : i32
      %sign3A_546 = arith.constant 0 : i32
      %sign3A_547 = arith.cmpi sgt, %jit3A_537, %sign3A_546 : i32
      %sign3A_548 = arith.extui %sign3A_547 : i1 to i32
      %sign3A_549 = arith.constant 0 : i32
      %sign3A_550 = arith.cmpi slt, %jit3A_537, %sign3A_549 : i32
      %sign3A_551 = arith.extui %sign3A_550 : i1 to i32
      %sign3A_552 = arith.subi %sign3A_548, %sign3A_551 : i32
      %ne3A_553 = arith.cmpi ne, %sign3A_545, %sign3A_552 : i32
      %rem3A_554 = arith.remsi %rem3A_536, %jit3A_537 : i32
      %ne3A_555 = arith.constant 0 : i32
      %ne3A_556 = arith.cmpi ne, %rem3A_554, %ne3A_555 : i32
      %and3A_557 = arith.andi %ne3A_553, %ne3A_556 : i1
      %sub3A_558 = arith.constant 1 : i32
      %sub3A_559 = arith.subi %div3A_538, %sub3A_558 : i32
      %select_n3A_560 = arith.select %and3A_557, %sub3A_559, %div3A_538 : i32
      %rem3A_561 = arith.constant 25 : i32
      %rem3A_562 = arith.remsi %rem3A_536, %rem3A_561 : i32
      %mul3A_563 = arith.constant 2 : i32
      %mul3A_564 = arith.muli %rem3A_562, %mul3A_563 : i32
      %mul3A_565 = arith.constant 4 : i32
      %mul3A_566 = arith.muli %add3A, %mul3A_565 : i32
      %add3A_567 = arith.addi %mul3A_566, %select_n3A_560 : i32
      %mul3A_568 = arith.constant 128 : i32
      %mul3A_569 = arith.muli %add3A_567, %mul3A_568 : i32
      %dma_start3A_570 = tpu.memref_slice %arg2[%mul3A_564, %mul3A_569] : memref<50x16384xi32, #tpu.memory_space<hbm>> -> memref<2x128xi32, #tpu.memory_space<hbm>>
      %dma_start3A_571 = tpu.memref_slice %arg2[%mul3A_564, %mul3A_569] : memref<50x16384xi32, #tpu.memory_space<hbm>> -> memref<2x128xi32, #tpu.memory_space<hbm>>
      tpu.enqueue_dma source(%dma_start3A_571 : memref<2x128xi32, #tpu.memory_space<hbm>>) target(%arg6 : memref<2x128xi32, #tpu.memory_space<vmem>>) target_semaphore(%arg21 : memref<!tpu.dma_semaphore, #tpu.memory_space<semaphore_mem>>)
      %ge3A = arith.constant 1 : i32
      %ge3A_572 = arith.cmpi sge, %scan3A_483, %ge3A : i32
      %convert_element_type3A = arith.extui %ge3A_572 : i1 to i32
      %cond3A = arith.constant 0 : i32
      %cond3A_573 = arith.cmpi ne, %convert_element_type3A, %cond3A : i32
      scf.if %cond3A_573 {
        %dma_wait3A_845 = arith.constant 0 : i32
        %dma_wait3A_846 = arith.constant 0 : i32
        %dma_wait3A_847 = arith.constant 0 : i32
        %dma_wait3A_848 = arith.constant 0 : i32
        %dma_wait3A_849 = arith.constant 0 : i32
        %dma_wait3A_850 = tpu.memref_slice %arg13[%dma_wait3A_845, %dma_wait3A_846, %dma_wait3A_847, %dma_wait3A_848, %dma_wait3A_849] : memref<1x8x1x8x129xf32, #tpu.memory_space<vmem>> -> memref<1x8x1x8x128xf32, #tpu.memory_space<vmem>>
        %dma_wait3A_851 = arith.constant 0 : i32
        %dma_wait3A_852 = arith.constant 0 : i32
        %dma_wait3A_853 = arith.constant 0 : i32
        %dma_wait3A_854 = arith.constant 0 : i32
        %dma_wait3A_855 = arith.constant 0 : i32
        %dma_wait3A_856 = tpu.memref_slice %arg5[%dma_wait3A_851, %dma_wait3A_852, %dma_wait3A_853, %dma_wait3A_854, %dma_wait3A_855] : memref<50x8x128x8x128xf32, #tpu.memory_space<hbm>> -> memref<1x8x1x8x128xf32, #tpu.memory_space<hbm>>
        %dma_wait3A_857 = arith.constant 0 : i32
        %dma_wait3A_858 = arith.constant 0 : i32
        %dma_wait3A_859 = arith.constant 0 : i32
        %dma_wait3A_860 = arith.constant 0 : i32
        %dma_wait3A_861 = arith.constant 0 : i32
        %dma_wait3A_862 = tpu.memref_slice %arg5[%dma_wait3A_857, %dma_wait3A_858, %dma_wait3A_859, %dma_wait3A_860, %dma_wait3A_861] : memref<50x8x128x8x128xf32, #tpu.memory_space<hbm>> -> memref<1x8x1x8x128xf32, #tpu.memory_space<hbm>>
        %dma_wait3A_863 = arith.constant 0 : i32
        %dma_wait3A_864 = arith.constant 0 : i32
        %dma_wait3A_865 = arith.constant 0 : i32
        %dma_wait3A_866 = arith.constant 0 : i32
        %dma_wait3A_867 = arith.constant 0 : i32
        %dma_wait3A_868 = tpu.memref_slice %arg13[%dma_wait3A_863, %dma_wait3A_864, %dma_wait3A_865, %dma_wait3A_866, %dma_wait3A_867] : memref<1x8x1x8x129xf32, #tpu.memory_space<vmem>> -> memref<1x8x1x8x128xf32, #tpu.memory_space<vmem>>
        tpu.wait_dma2 semaphore(%arg19 : memref<!tpu.dma_semaphore, #tpu.memory_space<semaphore_mem>>) src(%dma_wait3A_868 : memref<1x8x1x8x128xf32, #tpu.memory_space<vmem>>) dst(%dma_wait3A_862 : memref<1x8x1x8x128xf32, #tpu.memory_space<hbm>>)
        %dma_wait3A_869 = arith.constant 0 : i32
        %dma_wait3A_870 = arith.constant 0 : i32
        %dma_wait3A_871 = arith.constant 0 : i32
        %dma_wait3A_872 = arith.constant 0 : i32
        %dma_wait3A_873 = arith.constant 0 : i32
        %dma_wait3A_874 = tpu.memref_slice %arg14[%dma_wait3A_869, %dma_wait3A_870, %dma_wait3A_871, %dma_wait3A_872, %dma_wait3A_873] : memref<1x8x1x8x129xf32, #tpu.memory_space<vmem>> -> memref<1x8x1x8x128xf32, #tpu.memory_space<vmem>>
        %dma_wait3A_875 = arith.constant 0 : i32
        %dma_wait3A_876 = arith.constant 0 : i32
        %dma_wait3A_877 = arith.constant 0 : i32
        %dma_wait3A_878 = arith.constant 0 : i32
        %dma_wait3A_879 = arith.constant 0 : i32
        %dma_wait3A_880 = tpu.memref_slice %arg5[%dma_wait3A_875, %dma_wait3A_876, %dma_wait3A_877, %dma_wait3A_878, %dma_wait3A_879] : memref<50x8x128x8x128xf32, #tpu.memory_space<hbm>> -> memref<1x8x1x8x128xf32, #tpu.memory_space<hbm>>
        %dma_wait3A_881 = arith.constant 0 : i32
        %dma_wait3A_882 = arith.constant 0 : i32
        %dma_wait3A_883 = arith.constant 0 : i32
        %dma_wait3A_884 = arith.constant 0 : i32
        %dma_wait3A_885 = arith.constant 0 : i32
        %dma_wait3A_886 = tpu.memref_slice %arg5[%dma_wait3A_881, %dma_wait3A_882, %dma_wait3A_883, %dma_wait3A_884, %dma_wait3A_885] : memref<50x8x128x8x128xf32, #tpu.memory_space<hbm>> -> memref<1x8x1x8x128xf32, #tpu.memory_space<hbm>>
        %dma_wait3A_887 = arith.constant 0 : i32
        %dma_wait3A_888 = arith.constant 0 : i32
        %dma_wait3A_889 = arith.constant 0 : i32
        %dma_wait3A_890 = arith.constant 0 : i32
        %dma_wait3A_891 = arith.constant 0 : i32
        %dma_wait3A_892 = tpu.memref_slice %arg14[%dma_wait3A_887, %dma_wait3A_888, %dma_wait3A_889, %dma_wait3A_890, %dma_wait3A_891] : memref<1x8x1x8x129xf32, #tpu.memory_space<vmem>> -> memref<1x8x1x8x128xf32, #tpu.memory_space<vmem>>
        tpu.wait_dma2 semaphore(%arg19 : memref<!tpu.dma_semaphore, #tpu.memory_space<semaphore_mem>>) src(%dma_wait3A_892 : memref<1x8x1x8x128xf32, #tpu.memory_space<vmem>>) dst(%dma_wait3A_886 : memref<1x8x1x8x128xf32, #tpu.memory_space<hbm>>)
      } else {
      }
      %get3A = arith.index_cast %mul3A_517 : i32 to index
      %get3A_574 = arith.constant 0 : index
      %get3A_575 = tpu.vector_load %arg8[%get3A, %get3A_574] {strides = array<i32>} : memref<50x64xf32, #tpu.memory_space<vmem>>, vector<16xf32>,
      %get3A_576 = arith.index_cast %mul3A_517 : i32 to index
      %get3A_577 = arith.constant 16 : index
      %get3A_578 = tpu.vector_load %arg8[%get3A_576, %get3A_577] {strides = array<i32>} : memref<50x64xf32, #tpu.memory_space<vmem>>, vector<16xf32>,
      %get3A_579 = arith.index_cast %mul3A_517 : i32 to index
      %get3A_580 = arith.constant 32 : index
      %get3A_581 = tpu.vector_load %arg8[%get3A_579, %get3A_580] {strides = array<i32>} : memref<50x64xf32, #tpu.memory_space<vmem>>, vector<16xf32>,
      %get3A_582 = arith.index_cast %mul3A_517 : i32 to index
      %get3A_583 = arith.constant 48 : index
      %get3A_584 = tpu.vector_load %arg8[%get3A_582, %get3A_583] {strides = array<i32>} : memref<50x64xf32, #tpu.memory_space<vmem>>, vector<16xf32>,
      %parallel_loop3A = arith.constant 0 : i32
      %parallel_loop3A_585 = arith.constant 128 : i32
      %parallel_loop3A_586 = arith.constant 1 : i32
      scf.for %parallel_loop3A_845 = %parallel_loop3A to %parallel_loop3A_585 step %parallel_loop3A_586  : i32 {
        %parallel_loop3A_846 = vector.broadcast %parallel_loop3A_845 : i32 to vector<16xi32>
        %parallel_loop3A_847 = arith.addi %broadcast_in_dim3A_1, %parallel_loop3A_846 : vector<16xi32>
        %parallel_loop3A_848 = arith.index_cast %parallel_loop3A_845 : i32 to index
        %parallel_loop3A_849 = arith.constant 0 : index
        %parallel_loop3A_850 = tpu.vector_load %arg9[%parallel_loop3A_848, %parallel_loop3A_849] {strides = array<i32>} : memref<128x64xf32, #tpu.memory_space<vmem>>, vector<16xf32>,
        %parallel_loop3A_851 = arith.addf %parallel_loop3A_850, %get3A_575 : vector<16xf32>
        tpu.vector_store_idx %arg13[%broadcast_in_dim3A_1, %select_n3A, %broadcast_in_dim3A_1, %select_n3A_176, %parallel_loop3A_847], %parallel_loop3A_851 : memref<1x8x1x8x129xf32, #tpu.memory_space<vmem>>[vector<16xi32>, vector<16xi32>, vector<16xi32>, vector<16xi32>, vector<16xi32>], vector<16xf32>,
        %parallel_loop3A_852 = arith.index_cast %parallel_loop3A_845 : i32 to index
        %parallel_loop3A_853 = arith.constant 16 : index
        %parallel_loop3A_854 = tpu.vector_load %arg9[%parallel_loop3A_852, %parallel_loop3A_853] {strides = array<i32>} : memref<128x64xf32, #tpu.memory_space<vmem>>, vector<16xf32>,
        %parallel_loop3A_855 = arith.addf %parallel_loop3A_854, %get3A_578 : vector<16xf32>
        tpu.vector_store_idx %arg13[%broadcast_in_dim3A_1, %select_n3A_85, %broadcast_in_dim3A_1, %select_n3A_201, %parallel_loop3A_847], %parallel_loop3A_855 : memref<1x8x1x8x129xf32, #tpu.memory_space<vmem>>[vector<16xi32>, vector<16xi32>, vector<16xi32>, vector<16xi32>, vector<16xi32>], vector<16xf32>,
        %parallel_loop3A_856 = arith.index_cast %parallel_loop3A_845 : i32 to index
        %parallel_loop3A_857 = arith.constant 32 : index
        %parallel_loop3A_858 = tpu.vector_load %arg9[%parallel_loop3A_856, %parallel_loop3A_857] {strides = array<i32>} : memref<128x64xf32, #tpu.memory_space<vmem>>, vector<16xf32>,
        %parallel_loop3A_859 = arith.addf %parallel_loop3A_858, %get3A_581 : vector<16xf32>
        tpu.vector_store_idx %arg13[%broadcast_in_dim3A_1, %select_n3A_119, %broadcast_in_dim3A_1, %select_n3A_226, %parallel_loop3A_847], %parallel_loop3A_859 : memref<1x8x1x8x129xf32, #tpu.memory_space<vmem>>[vector<16xi32>, vector<16xi32>, vector<16xi32>, vector<16xi32>, vector<16xi32>], vector<16xf32>,
        %parallel_loop3A_860 = arith.index_cast %parallel_loop3A_845 : i32 to index
        %parallel_loop3A_861 = arith.constant 48 : index
        %parallel_loop3A_862 = tpu.vector_load %arg9[%parallel_loop3A_860, %parallel_loop3A_861] {strides = array<i32>} : memref<128x64xf32, #tpu.memory_space<vmem>>, vector<16xf32>,
        %parallel_loop3A_863 = arith.addf %parallel_loop3A_862, %get3A_584 : vector<16xf32>
        tpu.vector_store_idx %arg13[%broadcast_in_dim3A_1, %select_n3A_153, %broadcast_in_dim3A_1, %select_n3A_251, %parallel_loop3A_847], %parallel_loop3A_863 : memref<1x8x1x8x129xf32, #tpu.memory_space<vmem>>[vector<16xi32>, vector<16xi32>, vector<16xi32>, vector<16xi32>, vector<16xi32>], vector<16xf32>,
      } {sc.loop_unroll_factor = 2 : i64, sc.parallel_access}
      %add3A_587 = arith.constant 1 : i32
      %add3A_588 = arith.addi %mul3A_517, %add3A_587 : i32
      %get3A_589 = arith.index_cast %add3A_588 : i32 to index
      %get3A_590 = arith.constant 0 : index
      %get3A_591 = tpu.vector_load %arg8[%get3A_589, %get3A_590] {strides = array<i32>} : memref<50x64xf32, #tpu.memory_space<vmem>>, vector<16xf32>,
      %get3A_592 = arith.index_cast %add3A_588 : i32 to index
      %get3A_593 = arith.constant 16 : index
      %get3A_594 = tpu.vector_load %arg8[%get3A_592, %get3A_593] {strides = array<i32>} : memref<50x64xf32, #tpu.memory_space<vmem>>, vector<16xf32>,
      %get3A_595 = arith.index_cast %add3A_588 : i32 to index
      %get3A_596 = arith.constant 32 : index
      %get3A_597 = tpu.vector_load %arg8[%get3A_595, %get3A_596] {strides = array<i32>} : memref<50x64xf32, #tpu.memory_space<vmem>>, vector<16xf32>,
      %get3A_598 = arith.index_cast %add3A_588 : i32 to index
      %get3A_599 = arith.constant 48 : index
      %get3A_600 = tpu.vector_load %arg8[%get3A_598, %get3A_599] {strides = array<i32>} : memref<50x64xf32, #tpu.memory_space<vmem>>, vector<16xf32>,
      %parallel_loop3A_601 = arith.constant 0 : i32
      %parallel_loop3A_602 = arith.constant 128 : i32
      %parallel_loop3A_603 = arith.constant 1 : i32
      scf.for %parallel_loop3A_845 = %parallel_loop3A_601 to %parallel_loop3A_602 step %parallel_loop3A_603  : i32 {
        %parallel_loop3A_846 = vector.broadcast %parallel_loop3A_845 : i32 to vector<16xi32>
        %parallel_loop3A_847 = arith.addi %broadcast_in_dim3A_1, %parallel_loop3A_846 : vector<16xi32>
        %parallel_loop3A_848 = arith.index_cast %parallel_loop3A_845 : i32 to index
        %parallel_loop3A_849 = arith.constant 0 : index
        %parallel_loop3A_850 = tpu.vector_load %arg10[%parallel_loop3A_848, %parallel_loop3A_849] {strides = array<i32>} : memref<128x64xf32, #tpu.memory_space<vmem>>, vector<16xf32>,
        %parallel_loop3A_851 = arith.addf %parallel_loop3A_850, %get3A_591 : vector<16xf32>
        tpu.vector_store_idx %arg14[%broadcast_in_dim3A_1, %select_n3A, %broadcast_in_dim3A_1, %select_n3A_176, %parallel_loop3A_847], %parallel_loop3A_851 : memref<1x8x1x8x129xf32, #tpu.memory_space<vmem>>[vector<16xi32>, vector<16xi32>, vector<16xi32>, vector<16xi32>, vector<16xi32>], vector<16xf32>,
        %parallel_loop3A_852 = arith.index_cast %parallel_loop3A_845 : i32 to index
        %parallel_loop3A_853 = arith.constant 16 : index
        %parallel_loop3A_854 = tpu.vector_load %arg10[%parallel_loop3A_852, %parallel_loop3A_853] {strides = array<i32>} : memref<128x64xf32, #tpu.memory_space<vmem>>, vector<16xf32>,
        %parallel_loop3A_855 = arith.addf %parallel_loop3A_854, %get3A_594 : vector<16xf32>
        tpu.vector_store_idx %arg14[%broadcast_in_dim3A_1, %select_n3A_85, %broadcast_in_dim3A_1, %select_n3A_201, %parallel_loop3A_847], %parallel_loop3A_855 : memref<1x8x1x8x129xf32, #tpu.memory_space<vmem>>[vector<16xi32>, vector<16xi32>, vector<16xi32>, vector<16xi32>, vector<16xi32>], vector<16xf32>,
        %parallel_loop3A_856 = arith.index_cast %parallel_loop3A_845 : i32 to index
        %parallel_loop3A_857 = arith.constant 32 : index
        %parallel_loop3A_858 = tpu.vector_load %arg10[%parallel_loop3A_856, %parallel_loop3A_857] {strides = array<i32>} : memref<128x64xf32, #tpu.memory_space<vmem>>, vector<16xf32>,
        %parallel_loop3A_859 = arith.addf %parallel_loop3A_858, %get3A_597 : vector<16xf32>
        tpu.vector_store_idx %arg14[%broadcast_in_dim3A_1, %select_n3A_119, %broadcast_in_dim3A_1, %select_n3A_226, %parallel_loop3A_847], %parallel_loop3A_859 : memref<1x8x1x8x129xf32, #tpu.memory_space<vmem>>[vector<16xi32>, vector<16xi32>, vector<16xi32>, vector<16xi32>, vector<16xi32>], vector<16xf32>,
        %parallel_loop3A_860 = arith.index_cast %parallel_loop3A_845 : i32 to index
        %parallel_loop3A_861 = arith.constant 48 : index
        %parallel_loop3A_862 = tpu.vector_load %arg10[%parallel_loop3A_860, %parallel_loop3A_861] {strides = array<i32>} : memref<128x64xf32, #tpu.memory_space<vmem>>, vector<16xf32>,
        %parallel_loop3A_863 = arith.addf %parallel_loop3A_862, %get3A_600 : vector<16xf32>
        tpu.vector_store_idx %arg14[%broadcast_in_dim3A_1, %select_n3A_153, %broadcast_in_dim3A_1, %select_n3A_251, %parallel_loop3A_847], %parallel_loop3A_863 : memref<1x8x1x8x129xf32, #tpu.memory_space<vmem>>[vector<16xi32>, vector<16xi32>, vector<16xi32>, vector<16xi32>, vector<16xi32>], vector<16xf32>,
      } {sc.loop_unroll_factor = 2 : i64, sc.parallel_access}
      %dma_start3A_604 = arith.constant 0 : i32
      %dma_start3A_605 = arith.constant 0 : i32
      %dma_start3A_606 = arith.constant 0 : i32
      %dma_start3A_607 = arith.constant 0 : i32
      %dma_start3A_608 = arith.constant 0 : i32
      %dma_start3A_609 = tpu.memref_slice %arg13[%dma_start3A_604, %dma_start3A_605, %dma_start3A_606, %dma_start3A_607, %dma_start3A_608] : memref<1x8x1x8x129xf32, #tpu.memory_space<vmem>> -> memref<1x8x1x8x128xf32, #tpu.memory_space<vmem>>
      %dma_start3A_610 = arith.constant 0 : i32
      %dma_start3A_611 = arith.constant 0 : i32
      %dma_start3A_612 = arith.constant 0 : i32
      %dma_start3A_613 = tpu.memref_slice %arg5[%mul3A_517, %dma_start3A_610, %add3A_520, %dma_start3A_611, %dma_start3A_612] : memref<50x8x128x8x128xf32, #tpu.memory_space<hbm>> -> memref<1x8x1x8x128xf32, #tpu.memory_space<hbm>>
      %dma_start3A_614 = arith.constant 0 : i32
      %dma_start3A_615 = arith.constant 0 : i32
      %dma_start3A_616 = arith.constant 0 : i32
      %dma_start3A_617 = tpu.memref_slice %arg5[%mul3A_517, %dma_start3A_614, %add3A_520, %dma_start3A_615, %dma_start3A_616] : memref<50x8x128x8x128xf32, #tpu.memory_space<hbm>> -> memref<1x8x1x8x128xf32, #tpu.memory_space<hbm>>
      %dma_start3A_618 = arith.constant 0 : i32
      %dma_start3A_619 = arith.constant 0 : i32
      %dma_start3A_620 = arith.constant 0 : i32
      %dma_start3A_621 = arith.constant 0 : i32
      %dma_start3A_622 = arith.constant 0 : i32
      %dma_start3A_623 = tpu.memref_slice %arg13[%dma_start3A_618, %dma_start3A_619, %dma_start3A_620, %dma_start3A_621, %dma_start3A_622] : memref<1x8x1x8x129xf32, #tpu.memory_space<vmem>> -> memref<1x8x1x8x128xf32, #tpu.memory_space<vmem>>
      tpu.enqueue_dma source(%dma_start3A_623 : memref<1x8x1x8x128xf32, #tpu.memory_space<vmem>>) target(%dma_start3A_617 : memref<1x8x1x8x128xf32, #tpu.memory_space<hbm>>) target_semaphore(%arg19 : memref<!tpu.dma_semaphore, #tpu.memory_space<semaphore_mem>>)
      %add3A_624 = arith.constant 1 : i32
      %add3A_625 = arith.addi %mul3A_517, %add3A_624 : i32
      %dma_start3A_626 = arith.constant 0 : i32
      %dma_start3A_627 = arith.constant 0 : i32
      %dma_start3A_628 = arith.constant 0 : i32
      %dma_start3A_629 = arith.constant 0 : i32
      %dma_start3A_630 = arith.constant 0 : i32
      %dma_start3A_631 = tpu.memref_slice %arg14[%dma_start3A_626, %dma_start3A_627, %dma_start3A_628, %dma_start3A_629, %dma_start3A_630] : memref<1x8x1x8x129xf32, #tpu.memory_space<vmem>> -> memref<1x8x1x8x128xf32, #tpu.memory_space<vmem>>
      %dma_start3A_632 = arith.constant 0 : i32
      %dma_start3A_633 = arith.constant 0 : i32
      %dma_start3A_634 = arith.constant 0 : i32
      %dma_start3A_635 = tpu.memref_slice %arg5[%add3A_625, %dma_start3A_632, %add3A_520, %dma_start3A_633, %dma_start3A_634] : memref<50x8x128x8x128xf32, #tpu.memory_space<hbm>> -> memref<1x8x1x8x128xf32, #tpu.memory_space<hbm>>
      %dma_start3A_636 = arith.constant 0 : i32
      %dma_start3A_637 = arith.constant 0 : i32
      %dma_start3A_638 = arith.constant 0 : i32
      %dma_start3A_639 = tpu.memref_slice %arg5[%add3A_625, %dma_start3A_636, %add3A_520, %dma_start3A_637, %dma_start3A_638] : memref<50x8x128x8x128xf32, #tpu.memory_space<hbm>> -> memref<1x8x1x8x128xf32, #tpu.memory_space<hbm>>
      %dma_start3A_640 = arith.constant 0 : i32
      %dma_start3A_641 = arith.constant 0 : i32
      %dma_start3A_642 = arith.constant 0 : i32
      %dma_start3A_643 = arith.constant 0 : i32
      %dma_start3A_644 = arith.constant 0 : i32
      %dma_start3A_645 = tpu.memref_slice %arg14[%dma_start3A_640, %dma_start3A_641, %dma_start3A_642, %dma_start3A_643, %dma_start3A_644] : memref<1x8x1x8x129xf32, #tpu.memory_space<vmem>> -> memref<1x8x1x8x128xf32, #tpu.memory_space<vmem>>
      tpu.enqueue_dma source(%dma_start3A_645 : memref<1x8x1x8x128xf32, #tpu.memory_space<vmem>>) target(%dma_start3A_639 : memref<1x8x1x8x128xf32, #tpu.memory_space<hbm>>) target_semaphore(%arg19 : memref<!tpu.dma_semaphore, #tpu.memory_space<semaphore_mem>>)
      %dma_wait3A_646 = tpu.memref_slice %arg2[%mul3A_564, %mul3A_569] : memref<50x16384xi32, #tpu.memory_space<hbm>> -> memref<2x128xi32, #tpu.memory_space<hbm>>
      %dma_wait3A_647 = tpu.memref_slice %arg2[%mul3A_564, %mul3A_569] : memref<50x16384xi32, #tpu.memory_space<hbm>> -> memref<2x128xi32, #tpu.memory_space<hbm>>
      tpu.wait_dma2 semaphore(%arg21 : memref<!tpu.dma_semaphore, #tpu.memory_space<semaphore_mem>>) src(%dma_wait3A_647 : memref<2x128xi32, #tpu.memory_space<hbm>>) dst(%arg6 : memref<2x128xi32, #tpu.memory_space<vmem>>)
      %dma_start3A_648 = arith.constant 0 : i32
      %dma_start3A_649 = arith.constant 0 : i32
      %dma_start3A_650 = tpu.memref_slice %arg6[%dma_start3A_648, %dma_start3A_649] : memref<2x128xi32, #tpu.memory_space<vmem>> -> memref<1x128xi32, #tpu.memory_space<vmem>>
      %dma_start3A_651 = tpu.memref_squeeze %dma_start3A_650 : memref<1x128xi32, #tpu.memory_space<vmem>> -> memref<128xi32, #tpu.memory_space<vmem>>
      %dma_start3A_652 = arith.constant 0 : i32
      %dma_start3A_653 = arith.constant 0 : i32
      %dma_start3A_654 = tpu.memref_slice %arg4[%dma_start3A_652, %dma_start3A_653] : memref<1000000x64xf32, #tpu.memory_space<hbm>> -> memref<1000000x64xf32, #tpu.memory_space<hbm>>
      tpu.enqueue_indirect_dma source(%dma_start3A_654 : memref<1000000x64xf32, #tpu.memory_space<hbm>>) target(%arg9 : memref<128x64xf32, #tpu.memory_space<vmem>>) offsets(%dma_start3A_651 : memref<128xi32, #tpu.memory_space<vmem>>) semaphore(%arg17 : memref<!tpu.dma_semaphore, #tpu.memory_space<semaphore_mem>>)
      %dma_start3A_655 = arith.constant 1 : i32
      %dma_start3A_656 = arith.constant 0 : i32
      %dma_start3A_657 = tpu.memref_slice %arg6[%dma_start3A_655, %dma_start3A_656] : memref<2x128xi32, #tpu.memory_space<vmem>> -> memref<1x128xi32, #tpu.memory_space<vmem>>
      %dma_start3A_658 = tpu.memref_squeeze %dma_start3A_657 : memref<1x128xi32, #tpu.memory_space<vmem>> -> memref<128xi32, #tpu.memory_space<vmem>>
      %dma_start3A_659 = arith.constant 0 : i32
      %dma_start3A_660 = arith.constant 0 : i32
      %dma_start3A_661 = tpu.memref_slice %arg4[%dma_start3A_659, %dma_start3A_660] : memref<1000000x64xf32, #tpu.memory_space<hbm>> -> memref<1000000x64xf32, #tpu.memory_space<hbm>>
      tpu.enqueue_indirect_dma source(%dma_start3A_661 : memref<1000000x64xf32, #tpu.memory_space<hbm>>) target(%arg10 : memref<128x64xf32, #tpu.memory_space<vmem>>) offsets(%dma_start3A_658 : memref<128xi32, #tpu.memory_space<vmem>>) semaphore(%arg17 : memref<!tpu.dma_semaphore, #tpu.memory_space<semaphore_mem>>)
      %mul3A_662 = arith.constant 2 : i32
      %mul3A_663 = arith.muli %mul3A_662, %scan3A_483 : i32
      %add3A_664 = arith.constant 1 : i32
      %add3A_665 = arith.addi %mul3A_663, %add3A_664 : i32
      %rem3A_666 = arith.constant 100 : i32
      %rem3A_667 = arith.remsi %add3A_665, %rem3A_666 : i32
      %jit3A_668 = arith.constant 25 : i32
      %div3A_669 = arith.divsi %rem3A_667, %jit3A_668 : i32
      %sign3A_670 = arith.constant 0 : i32
      %sign3A_671 = arith.cmpi sgt, %rem3A_667, %sign3A_670 : i32
      %sign3A_672 = arith.extui %sign3A_671 : i1 to i32
      %sign3A_673 = arith.constant 0 : i32
      %sign3A_674 = arith.cmpi slt, %rem3A_667, %sign3A_673 : i32
      %sign3A_675 = arith.extui %sign3A_674 : i1 to i32
      %sign3A_676 = arith.subi %sign3A_672, %sign3A_675 : i32
      %sign3A_677 = arith.constant 0 : i32
      %sign3A_678 = arith.cmpi sgt, %jit3A_668, %sign3A_677 : i32
      %sign3A_679 = arith.extui %sign3A_678 : i1 to i32
      %sign3A_680 = arith.constant 0 : i32
      %sign3A_681 = arith.cmpi slt, %jit3A_668, %sign3A_680 : i32
      %sign3A_682 = arith.extui %sign3A_681 : i1 to i32
      %sign3A_683 = arith.subi %sign3A_679, %sign3A_682 : i32
      %ne3A_684 = arith.cmpi ne, %sign3A_676, %sign3A_683 : i32
      %rem3A_685 = arith.remsi %rem3A_667, %jit3A_668 : i32
      %ne3A_686 = arith.constant 0 : i32
      %ne3A_687 = arith.cmpi ne, %rem3A_685, %ne3A_686 : i32
      %and3A_688 = arith.andi %ne3A_684, %ne3A_687 : i1
      %sub3A_689 = arith.constant 1 : i32
      %sub3A_690 = arith.subi %div3A_669, %sub3A_689 : i32
      %select_n3A_691 = arith.select %and3A_688, %sub3A_690, %div3A_669 : i32
      %rem3A_692 = arith.constant 25 : i32
      %rem3A_693 = arith.remsi %rem3A_667, %rem3A_692 : i32
      %mul3A_694 = arith.constant 2 : i32
      %mul3A_695 = arith.muli %rem3A_693, %mul3A_694 : i32
      %mul3A_696 = arith.constant 4 : i32
      %mul3A_697 = arith.muli %add3A, %mul3A_696 : i32
      %add3A_698 = arith.addi %mul3A_697, %select_n3A_691 : i32
      %dma_wait3A_699 = arith.constant 0 : i32
      %dma_wait3A_700 = arith.constant 0 : i32
      %dma_wait3A_701 = tpu.memref_slice %arg4[%dma_wait3A_699, %dma_wait3A_700] : memref<1000000x64xf32, #tpu.memory_space<hbm>> -> memref<128x64xf32, #tpu.memory_space<hbm>>
      %dma_wait3A_702 = arith.constant 0 : i32
      %dma_wait3A_703 = arith.constant 0 : i32
      %dma_wait3A_704 = tpu.memref_slice %arg4[%dma_wait3A_702, %dma_wait3A_703] : memref<1000000x64xf32, #tpu.memory_space<hbm>> -> memref<128x64xf32, #tpu.memory_space<hbm>>
      tpu.wait_dma2 semaphore(%arg18 : memref<!tpu.dma_semaphore, #tpu.memory_space<semaphore_mem>>) src(%dma_wait3A_704 : memref<128x64xf32, #tpu.memory_space<hbm>>) dst(%arg11 : memref<128x64xf32, #tpu.memory_space<vmem>>)
      %dma_wait3A_705 = arith.constant 0 : i32
      %dma_wait3A_706 = arith.constant 0 : i32
      %dma_wait3A_707 = tpu.memref_slice %arg4[%dma_wait3A_705, %dma_wait3A_706] : memref<1000000x64xf32, #tpu.memory_space<hbm>> -> memref<128x64xf32, #tpu.memory_space<hbm>>
      %dma_wait3A_708 = arith.constant 0 : i32
      %dma_wait3A_709 = arith.constant 0 : i32
      %dma_wait3A_710 = tpu.memref_slice %arg4[%dma_wait3A_708, %dma_wait3A_709] : memref<1000000x64xf32, #tpu.memory_space<hbm>> -> memref<128x64xf32, #tpu.memory_space<hbm>>
      tpu.wait_dma2 semaphore(%arg18 : memref<!tpu.dma_semaphore, #tpu.memory_space<semaphore_mem>>) src(%dma_wait3A_710 : memref<128x64xf32, #tpu.memory_space<hbm>>) dst(%arg12 : memref<128x64xf32, #tpu.memory_space<vmem>>)
      %add3A_711 = arith.constant 2 : i32
      %add3A_712 = arith.addi %add3A_665, %add3A_711 : i32
      %rem3A_713 = arith.constant 100 : i32
      %rem3A_714 = arith.remsi %add3A_712, %rem3A_713 : i32
      %jit3A_715 = arith.constant 25 : i32
      %div3A_716 = arith.divsi %rem3A_714, %jit3A_715 : i32
      %sign3A_717 = arith.constant 0 : i32
      %sign3A_718 = arith.cmpi sgt, %rem3A_714, %sign3A_717 : i32
      %sign3A_719 = arith.extui %sign3A_718 : i1 to i32
      %sign3A_720 = arith.constant 0 : i32
      %sign3A_721 = arith.cmpi slt, %rem3A_714, %sign3A_720 : i32
      %sign3A_722 = arith.extui %sign3A_721 : i1 to i32
      %sign3A_723 = arith.subi %sign3A_719, %sign3A_722 : i32
      %sign3A_724 = arith.constant 0 : i32
      %sign3A_725 = arith.cmpi sgt, %jit3A_715, %sign3A_724 : i32
      %sign3A_726 = arith.extui %sign3A_725 : i1 to i32
      %sign3A_727 = arith.constant 0 : i32
      %sign3A_728 = arith.cmpi slt, %jit3A_715, %sign3A_727 : i32
      %sign3A_729 = arith.extui %sign3A_728 : i1 to i32
      %sign3A_730 = arith.subi %sign3A_726, %sign3A_729 : i32
      %ne3A_731 = arith.cmpi ne, %sign3A_723, %sign3A_730 : i32
      %rem3A_732 = arith.remsi %rem3A_714, %jit3A_715 : i32
      %ne3A_733 = arith.constant 0 : i32
      %ne3A_734 = arith.cmpi ne, %rem3A_732, %ne3A_733 : i32
      %and3A_735 = arith.andi %ne3A_731, %ne3A_734 : i1
      %sub3A_736 = arith.constant 1 : i32
      %sub3A_737 = arith.subi %div3A_716, %sub3A_736 : i32
      %select_n3A_738 = arith.select %and3A_735, %sub3A_737, %div3A_716 : i32
      %rem3A_739 = arith.constant 25 : i32
      %rem3A_740 = arith.remsi %rem3A_714, %rem3A_739 : i32
      %mul3A_741 = arith.constant 2 : i32
      %mul3A_742 = arith.muli %rem3A_740, %mul3A_741 : i32
      %mul3A_743 = arith.constant 4 : i32
      %mul3A_744 = arith.muli %add3A, %mul3A_743 : i32
      %add3A_745 = arith.addi %mul3A_744, %select_n3A_738 : i32
      %mul3A_746 = arith.constant 128 : i32
      %mul3A_747 = arith.muli %add3A_745, %mul3A_746 : i32
      %dma_start3A_748 = tpu.memref_slice %arg2[%mul3A_742, %mul3A_747] : memref<50x16384xi32, #tpu.memory_space<hbm>> -> memref<2x128xi32, #tpu.memory_space<hbm>>
      %dma_start3A_749 = tpu.memref_slice %arg2[%mul3A_742, %mul3A_747] : memref<50x16384xi32, #tpu.memory_space<hbm>> -> memref<2x128xi32, #tpu.memory_space<hbm>>
      tpu.enqueue_dma source(%dma_start3A_749 : memref<2x128xi32, #tpu.memory_space<hbm>>) target(%arg7 : memref<2x128xi32, #tpu.memory_space<vmem>>) target_semaphore(%arg22 : memref<!tpu.dma_semaphore, #tpu.memory_space<semaphore_mem>>)
      %ge3A_750 = arith.constant 1 : i32
      %ge3A_751 = arith.cmpi sge, %scan3A_483, %ge3A_750 : i32
      %convert_element_type3A_752 = arith.extui %ge3A_751 : i1 to i32
      %cond3A_753 = arith.constant 0 : i32
      %cond3A_754 = arith.cmpi ne, %convert_element_type3A_752, %cond3A_753 : i32
      scf.if %cond3A_754 {
        %dma_wait3A_845 = arith.constant 0 : i32
        %dma_wait3A_846 = arith.constant 0 : i32
        %dma_wait3A_847 = arith.constant 0 : i32
        %dma_wait3A_848 = arith.constant 0 : i32
        %dma_wait3A_849 = arith.constant 0 : i32
        %dma_wait3A_850 = tpu.memref_slice %arg15[%dma_wait3A_845, %dma_wait3A_846, %dma_wait3A_847, %dma_wait3A_848, %dma_wait3A_849] : memref<1x8x1x8x129xf32, #tpu.memory_space<vmem>> -> memref<1x8x1x8x128xf32, #tpu.memory_space<vmem>>
        %dma_wait3A_851 = arith.constant 0 : i32
        %dma_wait3A_852 = arith.constant 0 : i32
        %dma_wait3A_853 = arith.constant 0 : i32
        %dma_wait3A_854 = arith.constant 0 : i32
        %dma_wait3A_855 = arith.constant 0 : i32
        %dma_wait3A_856 = tpu.memref_slice %arg5[%dma_wait3A_851, %dma_wait3A_852, %dma_wait3A_853, %dma_wait3A_854, %dma_wait3A_855] : memref<50x8x128x8x128xf32, #tpu.memory_space<hbm>> -> memref<1x8x1x8x128xf32, #tpu.memory_space<hbm>>
        %dma_wait3A_857 = arith.constant 0 : i32
        %dma_wait3A_858 = arith.constant 0 : i32
        %dma_wait3A_859 = arith.constant 0 : i32
        %dma_wait3A_860 = arith.constant 0 : i32
        %dma_wait3A_861 = arith.constant 0 : i32
        %dma_wait3A_862 = tpu.memref_slice %arg5[%dma_wait3A_857, %dma_wait3A_858, %dma_wait3A_859, %dma_wait3A_860, %dma_wait3A_861] : memref<50x8x128x8x128xf32, #tpu.memory_space<hbm>> -> memref<1x8x1x8x128xf32, #tpu.memory_space<hbm>>
        %dma_wait3A_863 = arith.constant 0 : i32
        %dma_wait3A_864 = arith.constant 0 : i32
        %dma_wait3A_865 = arith.constant 0 : i32
        %dma_wait3A_866 = arith.constant 0 : i32
        %dma_wait3A_867 = arith.constant 0 : i32
        %dma_wait3A_868 = tpu.memref_slice %arg15[%dma_wait3A_863, %dma_wait3A_864, %dma_wait3A_865, %dma_wait3A_866, %dma_wait3A_867] : memref<1x8x1x8x129xf32, #tpu.memory_space<vmem>> -> memref<1x8x1x8x128xf32, #tpu.memory_space<vmem>>
        tpu.wait_dma2 semaphore(%arg20 : memref<!tpu.dma_semaphore, #tpu.memory_space<semaphore_mem>>) src(%dma_wait3A_868 : memref<1x8x1x8x128xf32, #tpu.memory_space<vmem>>) dst(%dma_wait3A_862 : memref<1x8x1x8x128xf32, #tpu.memory_space<hbm>>)
        %dma_wait3A_869 = arith.constant 0 : i32
        %dma_wait3A_870 = arith.constant 0 : i32
        %dma_wait3A_871 = arith.constant 0 : i32
        %dma_wait3A_872 = arith.constant 0 : i32
        %dma_wait3A_873 = arith.constant 0 : i32
        %dma_wait3A_874 = tpu.memref_slice %arg16[%dma_wait3A_869, %dma_wait3A_870, %dma_wait3A_871, %dma_wait3A_872, %dma_wait3A_873] : memref<1x8x1x8x129xf32, #tpu.memory_space<vmem>> -> memref<1x8x1x8x128xf32, #tpu.memory_space<vmem>>
        %dma_wait3A_875 = arith.constant 0 : i32
        %dma_wait3A_876 = arith.constant 0 : i32
        %dma_wait3A_877 = arith.constant 0 : i32
        %dma_wait3A_878 = arith.constant 0 : i32
        %dma_wait3A_879 = arith.constant 0 : i32
        %dma_wait3A_880 = tpu.memref_slice %arg5[%dma_wait3A_875, %dma_wait3A_876, %dma_wait3A_877, %dma_wait3A_878, %dma_wait3A_879] : memref<50x8x128x8x128xf32, #tpu.memory_space<hbm>> -> memref<1x8x1x8x128xf32, #tpu.memory_space<hbm>>
        %dma_wait3A_881 = arith.constant 0 : i32
        %dma_wait3A_882 = arith.constant 0 : i32
        %dma_wait3A_883 = arith.constant 0 : i32
        %dma_wait3A_884 = arith.constant 0 : i32
        %dma_wait3A_885 = arith.constant 0 : i32
        %dma_wait3A_886 = tpu.memref_slice %arg5[%dma_wait3A_881, %dma_wait3A_882, %dma_wait3A_883, %dma_wait3A_884, %dma_wait3A_885] : memref<50x8x128x8x128xf32, #tpu.memory_space<hbm>> -> memref<1x8x1x8x128xf32, #tpu.memory_space<hbm>>
        %dma_wait3A_887 = arith.constant 0 : i32
        %dma_wait3A_888 = arith.constant 0 : i32
        %dma_wait3A_889 = arith.constant 0 : i32
        %dma_wait3A_890 = arith.constant 0 : i32
        %dma_wait3A_891 = arith.constant 0 : i32
        %dma_wait3A_892 = tpu.memref_slice %arg16[%dma_wait3A_887, %dma_wait3A_888, %dma_wait3A_889, %dma_wait3A_890, %dma_wait3A_891] : memref<1x8x1x8x129xf32, #tpu.memory_space<vmem>> -> memref<1x8x1x8x128xf32, #tpu.memory_space<vmem>>
        tpu.wait_dma2 semaphore(%arg20 : memref<!tpu.dma_semaphore, #tpu.memory_space<semaphore_mem>>) src(%dma_wait3A_892 : memref<1x8x1x8x128xf32, #tpu.memory_space<vmem>>) dst(%dma_wait3A_886 : memref<1x8x1x8x128xf32, #tpu.memory_space<hbm>>)
      } else {
      }
      %get3A_755 = arith.index_cast %mul3A_695 : i32 to index
      %get3A_756 = arith.constant 0 : index
      %get3A_757 = tpu.vector_load %arg8[%get3A_755, %get3A_756] {strides = array<i32>} : memref<50x64xf32, #tpu.memory_space<vmem>>, vector<16xf32>,
      %get3A_758 = arith.index_cast %mul3A_695 : i32 to index
      %get3A_759 = arith.constant 16 : index
      %get3A_760 = tpu.vector_load %arg8[%get3A_758, %get3A_759] {strides = array<i32>} : memref<50x64xf32, #tpu.memory_space<vmem>>, vector<16xf32>,
      %get3A_761 = arith.index_cast %mul3A_695 : i32 to index
      %get3A_762 = arith.constant 32 : index
      %get3A_763 = tpu.vector_load %arg8[%get3A_761, %get3A_762] {strides = array<i32>} : memref<50x64xf32, #tpu.memory_space<vmem>>, vector<16xf32>,
      %get3A_764 = arith.index_cast %mul3A_695 : i32 to index
      %get3A_765 = arith.constant 48 : index
      %get3A_766 = tpu.vector_load %arg8[%get3A_764, %get3A_765] {strides = array<i32>} : memref<50x64xf32, #tpu.memory_space<vmem>>, vector<16xf32>,
      %parallel_loop3A_767 = arith.constant 0 : i32
      %parallel_loop3A_768 = arith.constant 128 : i32
      %parallel_loop3A_769 = arith.constant 1 : i32
      scf.for %parallel_loop3A_845 = %parallel_loop3A_767 to %parallel_loop3A_768 step %parallel_loop3A_769  : i32 {
        %parallel_loop3A_846 = vector.broadcast %parallel_loop3A_845 : i32 to vector<16xi32>
        %parallel_loop3A_847 = arith.addi %broadcast_in_dim3A_1, %parallel_loop3A_846 : vector<16xi32>
        %parallel_loop3A_848 = arith.index_cast %parallel_loop3A_845 : i32 to index
        %parallel_loop3A_849 = arith.constant 0 : index
        %parallel_loop3A_850 = tpu.vector_load %arg11[%parallel_loop3A_848, %parallel_loop3A_849] {strides = array<i32>} : memref<128x64xf32, #tpu.memory_space<vmem>>, vector<16xf32>,
        %parallel_loop3A_851 = arith.addf %parallel_loop3A_850, %get3A_757 : vector<16xf32>
        tpu.vector_store_idx %arg15[%broadcast_in_dim3A_1, %select_n3A, %broadcast_in_dim3A_1, %select_n3A_176, %parallel_loop3A_847], %parallel_loop3A_851 : memref<1x8x1x8x129xf32, #tpu.memory_space<vmem>>[vector<16xi32>, vector<16xi32>, vector<16xi32>, vector<16xi32>, vector<16xi32>], vector<16xf32>,
        %parallel_loop3A_852 = arith.index_cast %parallel_loop3A_845 : i32 to index
        %parallel_loop3A_853 = arith.constant 16 : index
        %parallel_loop3A_854 = tpu.vector_load %arg11[%parallel_loop3A_852, %parallel_loop3A_853] {strides = array<i32>} : memref<128x64xf32, #tpu.memory_space<vmem>>, vector<16xf32>,
        %parallel_loop3A_855 = arith.addf %parallel_loop3A_854, %get3A_760 : vector<16xf32>
        tpu.vector_store_idx %arg15[%broadcast_in_dim3A_1, %select_n3A_85, %broadcast_in_dim3A_1, %select_n3A_201, %parallel_loop3A_847], %parallel_loop3A_855 : memref<1x8x1x8x129xf32, #tpu.memory_space<vmem>>[vector<16xi32>, vector<16xi32>, vector<16xi32>, vector<16xi32>, vector<16xi32>], vector<16xf32>,
        %parallel_loop3A_856 = arith.index_cast %parallel_loop3A_845 : i32 to index
        %parallel_loop3A_857 = arith.constant 32 : index
        %parallel_loop3A_858 = tpu.vector_load %arg11[%parallel_loop3A_856, %parallel_loop3A_857] {strides = array<i32>} : memref<128x64xf32, #tpu.memory_space<vmem>>, vector<16xf32>,
        %parallel_loop3A_859 = arith.addf %parallel_loop3A_858, %get3A_763 : vector<16xf32>
        tpu.vector_store_idx %arg15[%broadcast_in_dim3A_1, %select_n3A_119, %broadcast_in_dim3A_1, %select_n3A_226, %parallel_loop3A_847], %parallel_loop3A_859 : memref<1x8x1x8x129xf32, #tpu.memory_space<vmem>>[vector<16xi32>, vector<16xi32>, vector<16xi32>, vector<16xi32>, vector<16xi32>], vector<16xf32>,
        %parallel_loop3A_860 = arith.index_cast %parallel_loop3A_845 : i32 to index
        %parallel_loop3A_861 = arith.constant 48 : index
        %parallel_loop3A_862 = tpu.vector_load %arg11[%parallel_loop3A_860, %parallel_loop3A_861] {strides = array<i32>} : memref<128x64xf32, #tpu.memory_space<vmem>>, vector<16xf32>,
        %parallel_loop3A_863 = arith.addf %parallel_loop3A_862, %get3A_766 : vector<16xf32>
        tpu.vector_store_idx %arg15[%broadcast_in_dim3A_1, %select_n3A_153, %broadcast_in_dim3A_1, %select_n3A_251, %parallel_loop3A_847], %parallel_loop3A_863 : memref<1x8x1x8x129xf32, #tpu.memory_space<vmem>>[vector<16xi32>, vector<16xi32>, vector<16xi32>, vector<16xi32>, vector<16xi32>], vector<16xf32>,
      } {sc.loop_unroll_factor = 2 : i64, sc.parallel_access}
      %add3A_770 = arith.constant 1 : i32
      %add3A_771 = arith.addi %mul3A_695, %add3A_770 : i32
      %get3A_772 = arith.index_cast %add3A_771 : i32 to index
      %get3A_773 = arith.constant 0 : index
      %get3A_774 = tpu.vector_load %arg8[%get3A_772, %get3A_773] {strides = array<i32>} : memref<50x64xf32, #tpu.memory_space<vmem>>, vector<16xf32>,
      %get3A_775 = arith.index_cast %add3A_771 : i32 to index
      %get3A_776 = arith.constant 16 : index
      %get3A_777 = tpu.vector_load %arg8[%get3A_775, %get3A_776] {strides = array<i32>} : memref<50x64xf32, #tpu.memory_space<vmem>>, vector<16xf32>,
      %get3A_778 = arith.index_cast %add3A_771 : i32 to index
      %get3A_779 = arith.constant 32 : index
      %get3A_780 = tpu.vector_load %arg8[%get3A_778, %get3A_779] {strides = array<i32>} : memref<50x64xf32, #tpu.memory_space<vmem>>, vector<16xf32>,
      %get3A_781 = arith.index_cast %add3A_771 : i32 to index
      %get3A_782 = arith.constant 48 : index
      %get3A_783 = tpu.vector_load %arg8[%get3A_781, %get3A_782] {strides = array<i32>} : memref<50x64xf32, #tpu.memory_space<vmem>>, vector<16xf32>,
      %parallel_loop3A_784 = arith.constant 0 : i32
      %parallel_loop3A_785 = arith.constant 128 : i32
      %parallel_loop3A_786 = arith.constant 1 : i32
      scf.for %parallel_loop3A_845 = %parallel_loop3A_784 to %parallel_loop3A_785 step %parallel_loop3A_786  : i32 {
        %parallel_loop3A_846 = vector.broadcast %parallel_loop3A_845 : i32 to vector<16xi32>
        %parallel_loop3A_847 = arith.addi %broadcast_in_dim3A_1, %parallel_loop3A_846 : vector<16xi32>
        %parallel_loop3A_848 = arith.index_cast %parallel_loop3A_845 : i32 to index
        %parallel_loop3A_849 = arith.constant 0 : index
        %parallel_loop3A_850 = tpu.vector_load %arg12[%parallel_loop3A_848, %parallel_loop3A_849] {strides = array<i32>} : memref<128x64xf32, #tpu.memory_space<vmem>>, vector<16xf32>,
        %parallel_loop3A_851 = arith.addf %parallel_loop3A_850, %get3A_774 : vector<16xf32>
        tpu.vector_store_idx %arg16[%broadcast_in_dim3A_1, %select_n3A, %broadcast_in_dim3A_1, %select_n3A_176, %parallel_loop3A_847], %parallel_loop3A_851 : memref<1x8x1x8x129xf32, #tpu.memory_space<vmem>>[vector<16xi32>, vector<16xi32>, vector<16xi32>, vector<16xi32>, vector<16xi32>], vector<16xf32>,
        %parallel_loop3A_852 = arith.index_cast %parallel_loop3A_845 : i32 to index
        %parallel_loop3A_853 = arith.constant 16 : index
        %parallel_loop3A_854 = tpu.vector_load %arg12[%parallel_loop3A_852, %parallel_loop3A_853] {strides = array<i32>} : memref<128x64xf32, #tpu.memory_space<vmem>>, vector<16xf32>,
        %parallel_loop3A_855 = arith.addf %parallel_loop3A_854, %get3A_777 : vector<16xf32>
        tpu.vector_store_idx %arg16[%broadcast_in_dim3A_1, %select_n3A_85, %broadcast_in_dim3A_1, %select_n3A_201, %parallel_loop3A_847], %parallel_loop3A_855 : memref<1x8x1x8x129xf32, #tpu.memory_space<vmem>>[vector<16xi32>, vector<16xi32>, vector<16xi32>, vector<16xi32>, vector<16xi32>], vector<16xf32>,
        %parallel_loop3A_856 = arith.index_cast %parallel_loop3A_845 : i32 to index
        %parallel_loop3A_857 = arith.constant 32 : index
        %parallel_loop3A_858 = tpu.vector_load %arg12[%parallel_loop3A_856, %parallel_loop3A_857] {strides = array<i32>} : memref<128x64xf32, #tpu.memory_space<vmem>>, vector<16xf32>,
        %parallel_loop3A_859 = arith.addf %parallel_loop3A_858, %get3A_780 : vector<16xf32>
        tpu.vector_store_idx %arg16[%broadcast_in_dim3A_1, %select_n3A_119, %broadcast_in_dim3A_1, %select_n3A_226, %parallel_loop3A_847], %parallel_loop3A_859 : memref<1x8x1x8x129xf32, #tpu.memory_space<vmem>>[vector<16xi32>, vector<16xi32>, vector<16xi32>, vector<16xi32>, vector<16xi32>], vector<16xf32>,
        %parallel_loop3A_860 = arith.index_cast %parallel_loop3A_845 : i32 to index
        %parallel_loop3A_861 = arith.constant 48 : index
        %parallel_loop3A_862 = tpu.vector_load %arg12[%parallel_loop3A_860, %parallel_loop3A_861] {strides = array<i32>} : memref<128x64xf32, #tpu.memory_space<vmem>>, vector<16xf32>,
        %parallel_loop3A_863 = arith.addf %parallel_loop3A_862, %get3A_783 : vector<16xf32>
        tpu.vector_store_idx %arg16[%broadcast_in_dim3A_1, %select_n3A_153, %broadcast_in_dim3A_1, %select_n3A_251, %parallel_loop3A_847], %parallel_loop3A_863 : memref<1x8x1x8x129xf32, #tpu.memory_space<vmem>>[vector<16xi32>, vector<16xi32>, vector<16xi32>, vector<16xi32>, vector<16xi32>], vector<16xf32>,
      } {sc.loop_unroll_factor = 2 : i64, sc.parallel_access}
      %dma_start3A_787 = arith.constant 0 : i32
      %dma_start3A_788 = arith.constant 0 : i32
      %dma_start3A_789 = arith.constant 0 : i32
      %dma_start3A_790 = arith.constant 0 : i32
      %dma_start3A_791 = arith.constant 0 : i32
      %dma_start3A_792 = tpu.memref_slice %arg15[%dma_start3A_787, %dma_start3A_788, %dma_start3A_789, %dma_start3A_790, %dma_start3A_791] : memref<1x8x1x8x129xf32, #tpu.memory_space<vmem>> -> memref<1x8x1x8x128xf32, #tpu.memory_space<vmem>>
      %dma_start3A_793 = arith.constant 0 : i32
      %dma_start3A_794 = arith.constant 0 : i32
      %dma_start3A_795 = arith.constant 0 : i32
      %dma_start3A_796 = tpu.memref_slice %arg5[%mul3A_695, %dma_start3A_793, %add3A_698, %dma_start3A_794, %dma_start3A_795] : memref<50x8x128x8x128xf32, #tpu.memory_space<hbm>> -> memref<1x8x1x8x128xf32, #tpu.memory_space<hbm>>
      %dma_start3A_797 = arith.constant 0 : i32
      %dma_start3A_798 = arith.constant 0 : i32
      %dma_start3A_799 = arith.constant 0 : i32
      %dma_start3A_800 = tpu.memref_slice %arg5[%mul3A_695, %dma_start3A_797, %add3A_698, %dma_start3A_798, %dma_start3A_799] : memref<50x8x128x8x128xf32, #tpu.memory_space<hbm>> -> memref<1x8x1x8x128xf32, #tpu.memory_space<hbm>>
      %dma_start3A_801 = arith.constant 0 : i32
      %dma_start3A_802 = arith.constant 0 : i32
      %dma_start3A_803 = arith.constant 0 : i32
      %dma_start3A_804 = arith.constant 0 : i32
      %dma_start3A_805 = arith.constant 0 : i32
      %dma_start3A_806 = tpu.memref_slice %arg15[%dma_start3A_801, %dma_start3A_802, %dma_start3A_803, %dma_start3A_804, %dma_start3A_805] : memref<1x8x1x8x129xf32, #tpu.memory_space<vmem>> -> memref<1x8x1x8x128xf32, #tpu.memory_space<vmem>>
      tpu.enqueue_dma source(%dma_start3A_806 : memref<1x8x1x8x128xf32, #tpu.memory_space<vmem>>) target(%dma_start3A_800 : memref<1x8x1x8x128xf32, #tpu.memory_space<hbm>>) target_semaphore(%arg20 : memref<!tpu.dma_semaphore, #tpu.memory_space<semaphore_mem>>)
      %add3A_807 = arith.constant 1 : i32
      %add3A_808 = arith.addi %mul3A_695, %add3A_807 : i32
      %dma_start3A_809 = arith.constant 0 : i32
      %dma_start3A_810 = arith.constant 0 : i32
      %dma_start3A_811 = arith.constant 0 : i32
      %dma_start3A_812 = arith.constant 0 : i32
      %dma_start3A_813 = arith.constant 0 : i32
      %dma_start3A_814 = tpu.memref_slice %arg16[%dma_start3A_809, %dma_start3A_810, %dma_start3A_811, %dma_start3A_812, %dma_start3A_813] : memref<1x8x1x8x129xf32, #tpu.memory_space<vmem>> -> memref<1x8x1x8x128xf32, #tpu.memory_space<vmem>>
      %dma_start3A_815 = arith.constant 0 : i32
      %dma_start3A_816 = arith.constant 0 : i32
      %dma_start3A_817 = arith.constant 0 : i32
      %dma_start3A_818 = tpu.memref_slice %arg5[%add3A_808, %dma_start3A_815, %add3A_698, %dma_start3A_816, %dma_start3A_817] : memref<50x8x128x8x128xf32, #tpu.memory_space<hbm>> -> memref<1x8x1x8x128xf32, #tpu.memory_space<hbm>>
      %dma_start3A_819 = arith.constant 0 : i32
      %dma_start3A_820 = arith.constant 0 : i32
      %dma_start3A_821 = arith.constant 0 : i32
      %dma_start3A_822 = tpu.memref_slice %arg5[%add3A_808, %dma_start3A_819, %add3A_698, %dma_start3A_820, %dma_start3A_821] : memref<50x8x128x8x128xf32, #tpu.memory_space<hbm>> -> memref<1x8x1x8x128xf32, #tpu.memory_space<hbm>>
      %dma_start3A_823 = arith.constant 0 : i32
      %dma_start3A_824 = arith.constant 0 : i32
      %dma_start3A_825 = arith.constant 0 : i32
      %dma_start3A_826 = arith.constant 0 : i32
      %dma_start3A_827 = arith.constant 0 : i32
      %dma_start3A_828 = tpu.memref_slice %arg16[%dma_start3A_823, %dma_start3A_824, %dma_start3A_825, %dma_start3A_826, %dma_start3A_827] : memref<1x8x1x8x129xf32, #tpu.memory_space<vmem>> -> memref<1x8x1x8x128xf32, #tpu.memory_space<vmem>>
      tpu.enqueue_dma source(%dma_start3A_828 : memref<1x8x1x8x128xf32, #tpu.memory_space<vmem>>) target(%dma_start3A_822 : memref<1x8x1x8x128xf32, #tpu.memory_space<hbm>>) target_semaphore(%arg20 : memref<!tpu.dma_semaphore, #tpu.memory_space<semaphore_mem>>)
      %dma_wait3A_829 = tpu.memref_slice %arg2[%mul3A_742, %mul3A_747] : memref<50x16384xi32, #tpu.memory_space<hbm>> -> memref<2x128xi32, #tpu.memory_space<hbm>>
      %dma_wait3A_830 = tpu.memref_slice %arg2[%mul3A_742, %mul3A_747] : memref<50x16384xi32, #tpu.memory_space<hbm>> -> memref<2x128xi32, #tpu.memory_space<hbm>>
      tpu.wait_dma2 semaphore(%arg22 : memref<!tpu.dma_semaphore, #tpu.memory_space<semaphore_mem>>) src(%dma_wait3A_830 : memref<2x128xi32, #tpu.memory_space<hbm>>) dst(%arg7 : memref<2x128xi32, #tpu.memory_space<vmem>>)
      %dma_start3A_831 = arith.constant 0 : i32
      %dma_start3A_832 = arith.constant 0 : i32
      %dma_start3A_833 = tpu.memref_slice %arg7[%dma_start3A_831, %dma_start3A_832] : memref<2x128xi32, #tpu.memory_space<vmem>> -> memref<1x128xi32, #tpu.memory_space<vmem>>
      %dma_start3A_834 = tpu.memref_squeeze %dma_start3A_833 : memref<1x128xi32, #tpu.memory_space<vmem>> -> memref<128xi32, #tpu.memory_space<vmem>>
      %dma_start3A_835 = arith.constant 0 : i32
      %dma_start3A_836 = arith.constant 0 : i32
      %dma_start3A_837 = tpu.memref_slice %arg4[%dma_start3A_835, %dma_start3A_836] : memref<1000000x64xf32, #tpu.memory_space<hbm>> -> memref<1000000x64xf32, #tpu.memory_space<hbm>>
      tpu.enqueue_indirect_dma source(%dma_start3A_837 : memref<1000000x64xf32, #tpu.memory_space<hbm>>) target(%arg11 : memref<128x64xf32, #tpu.memory_space<vmem>>) offsets(%dma_start3A_834 : memref<128xi32, #tpu.memory_space<vmem>>) semaphore(%arg18 : memref<!tpu.dma_semaphore, #tpu.memory_space<semaphore_mem>>)
      %dma_start3A_838 = arith.constant 1 : i32
      %dma_start3A_839 = arith.constant 0 : i32
      %dma_start3A_840 = tpu.memref_slice %arg7[%dma_start3A_838, %dma_start3A_839] : memref<2x128xi32, #tpu.memory_space<vmem>> -> memref<1x128xi32, #tpu.memory_space<vmem>>
      %dma_start3A_841 = tpu.memref_squeeze %dma_start3A_840 : memref<1x128xi32, #tpu.memory_space<vmem>> -> memref<128xi32, #tpu.memory_space<vmem>>
      %dma_start3A_842 = arith.constant 0 : i32
      %dma_start3A_843 = arith.constant 0 : i32
      %dma_start3A_844 = tpu.memref_slice %arg4[%dma_start3A_842, %dma_start3A_843] : memref<1000000x64xf32, #tpu.memory_space<hbm>> -> memref<1000000x64xf32, #tpu.memory_space<hbm>>
      tpu.enqueue_indirect_dma source(%dma_start3A_844 : memref<1000000x64xf32, #tpu.memory_space<hbm>>) target(%arg12 : memref<128x64xf32, #tpu.memory_space<vmem>>) offsets(%dma_start3A_841 : memref<128xi32, #tpu.memory_space<vmem>>) semaphore(%arg18 : memref<!tpu.dma_semaphore, #tpu.memory_space<semaphore_mem>>)
    }
    %scan3A_362 = arith.constant 50 : i32
    %dma_wait3A_363 = arith.constant 0 : i32
    %dma_wait3A_364 = arith.constant 0 : i32
    %dma_wait3A_365 = arith.constant 0 : i32
    %dma_wait3A_366 = arith.constant 0 : i32
    %dma_wait3A_367 = arith.constant 0 : i32
    %dma_wait3A_368 = tpu.memref_slice %arg13[%dma_wait3A_363, %dma_wait3A_364, %dma_wait3A_365, %dma_wait3A_366, %dma_wait3A_367] : memref<1x8x1x8x129xf32, #tpu.memory_space<vmem>> -> memref<1x8x1x8x128xf32, #tpu.memory_space<vmem>>
    %dma_wait3A_369 = arith.constant 0 : i32
    %dma_wait3A_370 = arith.constant 0 : i32
    %dma_wait3A_371 = arith.constant 0 : i32
    %dma_wait3A_372 = arith.constant 0 : i32
    %dma_wait3A_373 = arith.constant 0 : i32
    %dma_wait3A_374 = tpu.memref_slice %arg5[%dma_wait3A_369, %dma_wait3A_370, %dma_wait3A_371, %dma_wait3A_372, %dma_wait3A_373] : memref<50x8x128x8x128xf32, #tpu.memory_space<hbm>> -> memref<1x8x1x8x128xf32, #tpu.memory_space<hbm>>
    %dma_wait3A_375 = arith.constant 0 : i32
    %dma_wait3A_376 = arith.constant 0 : i32
    %dma_wait3A_377 = arith.constant 0 : i32
    %dma_wait3A_378 = arith.constant 0 : i32
    %dma_wait3A_379 = arith.constant 0 : i32
    %dma_wait3A_380 = tpu.memref_slice %arg5[%dma_wait3A_375, %dma_wait3A_376, %dma_wait3A_377, %dma_wait3A_378, %dma_wait3A_379] : memref<50x8x128x8x128xf32, #tpu.memory_space<hbm>> -> memref<1x8x1x8x128xf32, #tpu.memory_space<hbm>>
    %dma_wait3A_381 = arith.constant 0 : i32
    %dma_wait3A_382 = arith.constant 0 : i32
    %dma_wait3A_383 = arith.constant 0 : i32
    %dma_wait3A_384 = arith.constant 0 : i32
    %dma_wait3A_385 = arith.constant 0 : i32
    %dma_wait3A_386 = tpu.memref_slice %arg13[%dma_wait3A_381, %dma_wait3A_382, %dma_wait3A_383, %dma_wait3A_384, %dma_wait3A_385] : memref<1x8x1x8x129xf32, #tpu.memory_space<vmem>> -> memref<1x8x1x8x128xf32, #tpu.memory_space<vmem>>
    tpu.wait_dma2 semaphore(%arg19 : memref<!tpu.dma_semaphore, #tpu.memory_space<semaphore_mem>>) src(%dma_wait3A_386 : memref<1x8x1x8x128xf32, #tpu.memory_space<vmem>>) dst(%dma_wait3A_380 : memref<1x8x1x8x128xf32, #tpu.memory_space<hbm>>)
    %dma_wait3A_387 = arith.constant 0 : i32
    %dma_wait3A_388 = arith.constant 0 : i32
    %dma_wait3A_389 = arith.constant 0 : i32
    %dma_wait3A_390 = arith.constant 0 : i32
    %dma_wait3A_391 = arith.constant 0 : i32
    %dma_wait3A_392 = tpu.memref_slice %arg14[%dma_wait3A_387, %dma_wait3A_388, %dma_wait3A_389, %dma_wait3A_390, %dma_wait3A_391] : memref<1x8x1x8x129xf32, #tpu.memory_space<vmem>> -> memref<1x8x1x8x128xf32, #tpu.memory_space<vmem>>
    %dma_wait3A_393 = arith.constant 0 : i32
    %dma_wait3A_394 = arith.constant 0 : i32
    %dma_wait3A_395 = arith.constant 0 : i32
    %dma_wait3A_396 = arith.constant 0 : i32
    %dma_wait3A_397 = arith.constant 0 : i32
    %dma_wait3A_398 = tpu.memref_slice %arg5[%dma_wait3A_393, %dma_wait3A_394, %dma_wait3A_395, %dma_wait3A_396, %dma_wait3A_397] : memref<50x8x128x8x128xf32, #tpu.memory_space<hbm>> -> memref<1x8x1x8x128xf32, #tpu.memory_space<hbm>>
    %dma_wait3A_399 = arith.constant 0 : i32
    %dma_wait3A_400 = arith.constant 0 : i32
    %dma_wait3A_401 = arith.constant 0 : i32
    %dma_wait3A_402 = arith.constant 0 : i32
    %dma_wait3A_403 = arith.constant 0 : i32
    %dma_wait3A_404 = tpu.memref_slice %arg5[%dma_wait3A_399, %dma_wait3A_400, %dma_wait3A_401, %dma_wait3A_402, %dma_wait3A_403] : memref<50x8x128x8x128xf32, #tpu.memory_space<hbm>> -> memref<1x8x1x8x128xf32, #tpu.memory_space<hbm>>
    %dma_wait3A_405 = arith.constant 0 : i32
    %dma_wait3A_406 = arith.constant 0 : i32
    %dma_wait3A_407 = arith.constant 0 : i32
    %dma_wait3A_408 = arith.constant 0 : i32
    %dma_wait3A_409 = arith.constant 0 : i32
    %dma_wait3A_410 = tpu.memref_slice %arg14[%dma_wait3A_405, %dma_wait3A_406, %dma_wait3A_407, %dma_wait3A_408, %dma_wait3A_409] : memref<1x8x1x8x129xf32, #tpu.memory_space<vmem>> -> memref<1x8x1x8x128xf32, #tpu.memory_space<vmem>>
    tpu.wait_dma2 semaphore(%arg19 : memref<!tpu.dma_semaphore, #tpu.memory_space<semaphore_mem>>) src(%dma_wait3A_410 : memref<1x8x1x8x128xf32, #tpu.memory_space<vmem>>) dst(%dma_wait3A_404 : memref<1x8x1x8x128xf32, #tpu.memory_space<hbm>>)
    %dma_wait3A_411 = arith.constant 0 : i32
    %dma_wait3A_412 = arith.constant 0 : i32
    %dma_wait3A_413 = tpu.memref_slice %arg4[%dma_wait3A_411, %dma_wait3A_412] : memref<1000000x64xf32, #tpu.memory_space<hbm>> -> memref<128x64xf32, #tpu.memory_space<hbm>>
    %dma_wait3A_414 = arith.constant 0 : i32
    %dma_wait3A_415 = arith.constant 0 : i32
    %dma_wait3A_416 = tpu.memref_slice %arg4[%dma_wait3A_414, %dma_wait3A_415] : memref<1000000x64xf32, #tpu.memory_space<hbm>> -> memref<128x64xf32, #tpu.memory_space<hbm>>
    tpu.wait_dma2 semaphore(%arg17 : memref<!tpu.dma_semaphore, #tpu.memory_space<semaphore_mem>>) src(%dma_wait3A_416 : memref<128x64xf32, #tpu.memory_space<hbm>>) dst(%arg9 : memref<128x64xf32, #tpu.memory_space<vmem>>)
    %dma_wait3A_417 = arith.constant 0 : i32
    %dma_wait3A_418 = arith.constant 0 : i32
    %dma_wait3A_419 = tpu.memref_slice %arg4[%dma_wait3A_417, %dma_wait3A_418] : memref<1000000x64xf32, #tpu.memory_space<hbm>> -> memref<128x64xf32, #tpu.memory_space<hbm>>
    %dma_wait3A_420 = arith.constant 0 : i32
    %dma_wait3A_421 = arith.constant 0 : i32
    %dma_wait3A_422 = tpu.memref_slice %arg4[%dma_wait3A_420, %dma_wait3A_421] : memref<1000000x64xf32, #tpu.memory_space<hbm>> -> memref<128x64xf32, #tpu.memory_space<hbm>>
    tpu.wait_dma2 semaphore(%arg17 : memref<!tpu.dma_semaphore, #tpu.memory_space<semaphore_mem>>) src(%dma_wait3A_422 : memref<128x64xf32, #tpu.memory_space<hbm>>) dst(%arg10 : memref<128x64xf32, #tpu.memory_space<vmem>>)
    %dma_wait3A_423 = arith.constant 0 : i32
    %dma_wait3A_424 = arith.constant 0 : i32
    %dma_wait3A_425 = arith.constant 0 : i32
    %dma_wait3A_426 = arith.constant 0 : i32
    %dma_wait3A_427 = arith.constant 0 : i32
    %dma_wait3A_428 = tpu.memref_slice %arg15[%dma_wait3A_423, %dma_wait3A_424, %dma_wait3A_425, %dma_wait3A_426, %dma_wait3A_427] : memref<1x8x1x8x129xf32, #tpu.memory_space<vmem>> -> memref<1x8x1x8x128xf32, #tpu.memory_space<vmem>>
    %dma_wait3A_429 = arith.constant 0 : i32
    %dma_wait3A_430 = arith.constant 0 : i32
    %dma_wait3A_431 = arith.constant 0 : i32
    %dma_wait3A_432 = arith.constant 0 : i32
    %dma_wait3A_433 = arith.constant 0 : i32
    %dma_wait3A_434 = tpu.memref_slice %arg5[%dma_wait3A_429, %dma_wait3A_430, %dma_wait3A_431, %dma_wait3A_432, %dma_wait3A_433] : memref<50x8x128x8x128xf32, #tpu.memory_space<hbm>> -> memref<1x8x1x8x128xf32, #tpu.memory_space<hbm>>
    %dma_wait3A_435 = arith.constant 0 : i32
    %dma_wait3A_436 = arith.constant 0 : i32
    %dma_wait3A_437 = arith.constant 0 : i32
    %dma_wait3A_438 = arith.constant 0 : i32
    %dma_wait3A_439 = arith.constant 0 : i32
    %dma_wait3A_440 = tpu.memref_slice %arg5[%dma_wait3A_435, %dma_wait3A_436, %dma_wait3A_437, %dma_wait3A_438, %dma_wait3A_439] : memref<50x8x128x8x128xf32, #tpu.memory_space<hbm>> -> memref<1x8x1x8x128xf32, #tpu.memory_space<hbm>>
    %dma_wait3A_441 = arith.constant 0 : i32
    %dma_wait3A_442 = arith.constant 0 : i32
    %dma_wait3A_443 = arith.constant 0 : i32
    %dma_wait3A_444 = arith.constant 0 : i32
    %dma_wait3A_445 = arith.constant 0 : i32
    %dma_wait3A_446 = tpu.memref_slice %arg15[%dma_wait3A_441, %dma_wait3A_442, %dma_wait3A_443, %dma_wait3A_444, %dma_wait3A_445] : memref<1x8x1x8x129xf32, #tpu.memory_space<vmem>> -> memref<1x8x1x8x128xf32, #tpu.memory_space<vmem>>
    tpu.wait_dma2 semaphore(%arg20 : memref<!tpu.dma_semaphore, #tpu.memory_space<semaphore_mem>>) src(%dma_wait3A_446 : memref<1x8x1x8x128xf32, #tpu.memory_space<vmem>>) dst(%dma_wait3A_440 : memref<1x8x1x8x128xf32, #tpu.memory_space<hbm>>)
    %dma_wait3A_447 = arith.constant 0 : i32
    %dma_wait3A_448 = arith.constant 0 : i32
    %dma_wait3A_449 = arith.constant 0 : i32
    %dma_wait3A_450 = arith.constant 0 : i32
    %dma_wait3A_451 = arith.constant 0 : i32
    %dma_wait3A_452 = tpu.memref_slice %arg16[%dma_wait3A_447, %dma_wait3A_448, %dma_wait3A_449, %dma_wait3A_450, %dma_wait3A_451] : memref<1x8x1x8x129xf32, #tpu.memory_space<vmem>> -> memref<1x8x1x8x128xf32, #tpu.memory_space<vmem>>
    %dma_wait3A_453 = arith.constant 0 : i32
    %dma_wait3A_454 = arith.constant 0 : i32
    %dma_wait3A_455 = arith.constant 0 : i32
    %dma_wait3A_456 = arith.constant 0 : i32
    %dma_wait3A_457 = arith.constant 0 : i32
    %dma_wait3A_458 = tpu.memref_slice %arg5[%dma_wait3A_453, %dma_wait3A_454, %dma_wait3A_455, %dma_wait3A_456, %dma_wait3A_457] : memref<50x8x128x8x128xf32, #tpu.memory_space<hbm>> -> memref<1x8x1x8x128xf32, #tpu.memory_space<hbm>>
    %dma_wait3A_459 = arith.constant 0 : i32
    %dma_wait3A_460 = arith.constant 0 : i32
    %dma_wait3A_461 = arith.constant 0 : i32
    %dma_wait3A_462 = arith.constant 0 : i32
    %dma_wait3A_463 = arith.constant 0 : i32
    %dma_wait3A_464 = tpu.memref_slice %arg5[%dma_wait3A_459, %dma_wait3A_460, %dma_wait3A_461, %dma_wait3A_462, %dma_wait3A_463] : memref<50x8x128x8x128xf32, #tpu.memory_space<hbm>> -> memref<1x8x1x8x128xf32, #tpu.memory_space<hbm>>
    %dma_wait3A_465 = arith.constant 0 : i32
    %dma_wait3A_466 = arith.constant 0 : i32
    %dma_wait3A_467 = arith.constant 0 : i32
    %dma_wait3A_468 = arith.constant 0 : i32
    %dma_wait3A_469 = arith.constant 0 : i32
    %dma_wait3A_470 = tpu.memref_slice %arg16[%dma_wait3A_465, %dma_wait3A_466, %dma_wait3A_467, %dma_wait3A_468, %dma_wait3A_469] : memref<1x8x1x8x129xf32, #tpu.memory_space<vmem>> -> memref<1x8x1x8x128xf32, #tpu.memory_space<vmem>>
    tpu.wait_dma2 semaphore(%arg20 : memref<!tpu.dma_semaphore, #tpu.memory_space<semaphore_mem>>) src(%dma_wait3A_470 : memref<1x8x1x8x128xf32, #tpu.memory_space<vmem>>) dst(%dma_wait3A_464 : memref<1x8x1x8x128xf32, #tpu.memory_space<hbm>>)
    %dma_wait3A_471 = arith.constant 0 : i32
    %dma_wait3A_472 = arith.constant 0 : i32
    %dma_wait3A_473 = tpu.memref_slice %arg4[%dma_wait3A_471, %dma_wait3A_472] : memref<1000000x64xf32, #tpu.memory_space<hbm>> -> memref<128x64xf32, #tpu.memory_space<hbm>>
    %dma_wait3A_474 = arith.constant 0 : i32
    %dma_wait3A_475 = arith.constant 0 : i32
    %dma_wait3A_476 = tpu.memref_slice %arg4[%dma_wait3A_474, %dma_wait3A_475] : memref<1000000x64xf32, #tpu.memory_space<hbm>> -> memref<128x64xf32, #tpu.memory_space<hbm>>
    tpu.wait_dma2 semaphore(%arg18 : memref<!tpu.dma_semaphore, #tpu.memory_space<semaphore_mem>>) src(%dma_wait3A_476 : memref<128x64xf32, #tpu.memory_space<hbm>>) dst(%arg11 : memref<128x64xf32, #tpu.memory_space<vmem>>)
    %dma_wait3A_477 = arith.constant 0 : i32
    %dma_wait3A_478 = arith.constant 0 : i32
    %dma_wait3A_479 = tpu.memref_slice %arg4[%dma_wait3A_477, %dma_wait3A_478] : memref<1000000x64xf32, #tpu.memory_space<hbm>> -> memref<128x64xf32, #tpu.memory_space<hbm>>
    %dma_wait3A_480 = arith.constant 0 : i32
    %dma_wait3A_481 = arith.constant 0 : i32
    %dma_wait3A_482 = tpu.memref_slice %arg4[%dma_wait3A_480, %dma_wait3A_481] : memref<1000000x64xf32, #tpu.memory_space<hbm>> -> memref<128x64xf32, #tpu.memory_space<hbm>>
    tpu.wait_dma2 semaphore(%arg18 : memref<!tpu.dma_semaphore, #tpu.memory_space<semaphore_mem>>) src(%dma_wait3A_482 : memref<128x64xf32, #tpu.memory_space<hbm>>) dst(%arg12 : memref<128x64xf32, #tpu.memory_space<vmem>>)
    return
  }
}

</mosaic_0001>

<sc_bundles>
// kernel: kernel.3.cloned.1.call-start
scs
__scs_entry_jumppad:
0x0: {  	(pc) =	sbr.rel $0x88, $3  }
0x1: {  	(tag) =	ssettag $0x0;
	lr =	simm.s32 $0x1  }
0x2: {  	[smem:$0x3F9F] =	sst lr;
	_ =	strace $0xD0000000  }
0x3: {  	_ = 	snop  }
0x4: {  	_ = 	snop  }
0x5: {  	_ = 	snop  }
0x6: {  	_ = 	snop  }
0x7: {  	_ = 	snop  }
__scs_overlays_trampoline_lowered:
0x8: {  	[smem:$0x3FAE] =	sst s0  }
0x9: {  	[smem:$0x3FAF] =	sst s1  }
0xa: {  	[smem:$0x3FB0] =	sst s2  }
0xb: {  	[smem:$0x3FB1] =	sst s3  }
0xc: {  	[smem:$0x3FB2] =	sst s4  }
0xd: {  	[smem:$0x3FB3] =	sst s5  }
0xe: {  	[smem:$0x3FB4] =	sst s6  }
0xf: {  	[smem:$0x3FB5] =	sst s7  }
0x10: {  	[smem:$0x3FB6] =	sst s8  }
0x11: {  	[smem:$0x3FB7] =	sst s9;
	s0 =	simm.s32 @!p0 $0x0  }
0x12: {  	s1 =	sld [smem:$0x3F9D];
	s0 =	simm.s32 @p0 $0x1  }
0x13: {  	[smem:$0x3FB8] =	sst s0;
	s0 =	simm.s32 @!p1 $0x0  }
0x14: {  	s2 =	sld [smem:$0x3F9C];
	s0 =	simm.s32 @p1 $0x1  }
0x15: {  	[smem:$0x3FB9] =	sst s0;
	s0 =	simm.s32 @!p2 $0x0  }
0x16: {  	s3 =	sld [smem:$0x3FDB];
	s0 =	simm.s32 @p2 $0x1  }
0x17: {  	s4 =	simm.s32 $0x1BF5;
	[smem:$0x3FBB] =	sst s0  }
0x18: {  	s0 =	sld [smem:$0x3F9E];
	_ =	swait.ge [sflag:s4], $0x0  }
0x19: {  	s7 =	sld [smem:$0x3F9F]  }
0x1a: {  	s8 =	sadd.s32 $0xFFFFE003, lr  }
0x1b: {  	s9 =	sadd.s32 $0xFFFFFEF7, lr;
	s5 =	simm.s32 $0xFFFFFFFF;
	p2 =	slt.u32 s8, $0xFFFFF086  }
0x1c: {  	p1 =	slt.u32 s9, $0xF7A;
	s5 =	simm.s32 @!p2 $0x0  }
0x1d: {  	s5 =	simm.s32 @p1 $0x1;
	p0 =	seq.s32 s7, s2  }
0x1e: {  	s7 =	smul.u32 @!p0 $0xF7A, s2;
	p2 =	seq.s32 @!p0 s5, $0x0  }
0x1f: {  	s9 =	smul.u32 $0xF7A, s1;
	s8 =	simm.s32 @!p0 $0x1BF5;
	p2 =	por !p2, p0  }
0x20: {  	[sflag:s8] =	ssyncset.s32 @!p0 $0xFFFFF086;
	s6 =	sadd.s32 @!p0 s3, s7;
	s7 =	simm.s32 @!p0 $0x108  }
0x21: {  	s3 =	sadd.s32 s3, s9;
	s6 =	sadd.s32 @!p0 $0x88, s6;
	s7 =	simm.s32 @p2 $0x1082  }
0x22: {  	[simem:s7], [sflag:s8] =	dma.local @!p0 [hbm:s6], $0xF7A  }
0x23: {  	s9 =	sor.u32 $0xD0000000, s2;
	s6 =	simm.s32 $0x108;
	_ =	swait.ge @!p0 [sflag:s8], $0x0  }
0x24: {  	s3 =	sadd.s32 $0x88, s3;
	s6 =	simm.s32 @!p1 $0x1082;
	[sflag:s4] =	ssyncset.s32 $0xFFFFF086  }
0x25: {  	[simem:s6], [sflag:s4] =	dma.local [hbm:s3], $0xF7A  }
0x26: {  	[smem:$0x3F9F] =	sst s1;
	(tag) =	ssettag s2;
	_ =	strace s9  }
0x27: {  	s1 =	sld [smem:$0x3FAF]  }
0x28: {  	s2 =	sld [smem:$0x3FB0]  }
0x29: {  	s4 =	sld [smem:$0x3FB2]  }
0x2a: {  	p0 =	seq.s32 s5, $0x0;
	s5 =	sld [smem:$0x3FB3]  }
0x2b: {  	s6 =	sld [smem:$0x3FB4]  }
0x2c: {  	s7 =	sld [smem:$0x3FB5]  }
0x2d: {  	s3 =	simm.s32 $0x108;
	s8 =	sld [smem:$0x3FB6]  }
0x2e: {  	s3 =	simm.s32 @!p0 $0x1082;
	s9 =	sld [smem:$0x3FB7]  }
0x2f: {  	lr =	sadd.s32 s0, s3;
	s0 =	sld [smem:$0x3FAE]  }
0x30: {  	s3 =	sld [smem:$0x3FB1]  }
0x31: {  	[smem:$0x3FBA] =	sst s10  }
0x32: {  	s10 =	sld [smem:$0x3FB8];
	_ =	sdelay $0x3  }
0x33: {  	p0 =	seq.s32 s10, $0x1;
	s10 =	sld [smem:$0x3FBA];
	_ =	sdelay $0x3  }
0x34: {  	[smem:$0x3FBA] =	sst s10  }
0x35: {  	s10 =	sld [smem:$0x3FB9];
	_ =	sdelay $0x3  }
0x36: {  	p1 =	seq.s32 s10, $0x1;
	s10 =	sld [smem:$0x3FBA];
	_ =	sdelay $0x3  }
0x37: {  	[smem:$0x3FBA] =	sst s10  }
0x38: {  	s10 =	sld [smem:$0x3FBB]  }
0x39: {  	_ = 	snop;
	(pc) =	sbr.ind lr, $3  }
0x3a: {  	_ = 	snop  }
0x3b: {  	_ = 	snop  }
0x3c: {  	p2 =	seq.s32 s10, $0x1;
	s10 =	sld [smem:$0x3FBA]  }
0x3d: {  	_ =	shalt  }
0x3e: {  	_ =	shalt  }
0x3f: {  	_ =	shalt  }
0x40: {  	_ =	shalt  }
0x41: {  	_ =	shalt  }
0x42: {  	_ =	shalt  }
0x43: {  	_ =	shalt  }
0x44: {  	_ =	shalt  }
0x45: {  	_ =	shalt  }
0x46: {  	_ =	shalt  }
0x47: {  	_ =	shalt  }
0x48: {  	_ =	shalt  }
0x49: {  	_ =	shalt  }
0x4a: {  	_ =	shalt  }
0x4b: {  	_ =	shalt  }
0x4c: {  	_ =	shalt  }
0x4d: {  	_ =	shalt  }
0x4e: {  	_ =	shalt  }
0x4f: {  	_ =	shalt  }
0x50: {  	_ =	shalt  }
0x51: {  	_ =	shalt  }
0x52: {  	_ =	shalt  }
0x53: {  	_ =	shalt  }
0x54: {  	_ =	shalt  }
0x55: {  	_ =	shalt  }
0x56: {  	_ =	shalt  }
0x57: {  	_ =	shalt  }
0x58: {  	_ =	shalt  }
0x59: {  	_ =	shalt  }
0x5a: {  	_ =	shalt  }
0x5b: {  	_ =	shalt  }
0x5c: {  	_ =	shalt  }
0x5d: {  	_ =	shalt  }
0x5e: {  	_ =	shalt  }
0x5f: {  	_ =	shalt  }
0x60: {  	_ =	shalt  }
0x61: {  	_ =	shalt  }
0x62: {  	_ =	shalt  }
0x63: {  	_ =	shalt  }
0x64: {  	_ =	shalt  }
0x65: {  	_ =	shalt  }
0x66: {  	_ =	shalt  }
0x67: {  	_ =	shalt  }
0x68: {  	_ =	shalt  }
0x69: {  	_ =	shalt  }
0x6a: {  	_ =	shalt  }
0x6b: {  	_ =	shalt  }
0x6c: {  	_ =	shalt  }
0x6d: {  	_ =	shalt  }
0x6e: {  	_ =	shalt  }
0x6f: {  	_ =	shalt  }
0x70: {  	_ =	shalt  }
0x71: {  	_ =	shalt  }
0x72: {  	_ =	shalt  }
0x73: {  	_ =	shalt  }
0x74: {  	_ =	shalt  }
0x75: {  	_ =	shalt  }
0x76: {  	_ =	shalt  }
0x77: {  	_ =	shalt  }
0x78: {  	_ =	shalt  }
0x79: {  	_ =	shalt  }
0x7a: {  	_ =	shalt  }
0x7b: {  	_ =	shalt  }
0x7c: {  	_ =	shalt  }
0x7d: {  	_ =	shalt  }
0x7e: {  	_ =	shalt  }
0x7f: {  	_ =	shalt  }
0x80: {  	_ =	shalt  }
0x81: {  	_ =	shalt  }
0x82: {  	_ =	shalt  }
0x83: {  	_ =	shalt  }
0x84: {  	_ =	shalt  }
0x85: {  	_ =	shalt  }
0x86: {  	_ =	shalt  }
0x87: {  	_ =	shalt  }
.Lfunc_end0:
.L_simem_size_0:
called_computation_lowered:
.L_overlay_start_0:
0x88: {  	s2 =	sld [smem:$0x3FD9]  }
0x89: {  	s3 =	sld [smem:$0x3FFE];
	_ =	sdelay $0x1  }
0x8a: {  	s1 =	srdreg.scid  }
0x8b: {  	s0 =	sand.u32 $0x1, s1  }
0x8c: {  	s17 =	sshll.u32 s0, $0xA;
	s2 =	sadd.s32 s3, s2  }
0x8d: {  	s2 =	sadd.s32 s2, s17  }
0x8e: {  	[smem:$0x3FC6] =	sst s2  }
0x8f: {  	_ = 	snop  }
0x90: {  	s2 =	sld [smem:$0x3FD0];
	(tm) =	ssettm $0x1  }
0x91: {  	s18 =	sld [smem:$0x3FFB];
	_ =	sdelay $0x3  }
0x92: {  	_ =	strace s18  }
0x93: {  	s3 =	sld [smem:$0x3FFC];
	_ =	sdelay $0x3  }
0x94: {  	_ =	strace s3  }
0x95: {  	s3 =	sld [smem:$0x3FFD];
	_ =	sdelay $0x3  }
0x96: {  	_ =	strace s3  }
0x97: {  	_ =	strace $0x8FFFFFFF  }
0x98: {  	s19 =	sld [smem:$0x3FDB];
	_ =	sdelay $0x1  }
0x99: {  	s4 =	simm.s32 $_scs_section_size  }
0x9a: {  	s5 =	simm.s32 $_size__tile_overlayer_lowered;
	s6 =	simm.s32 $_tile_overlayer_lowered  }
0x9b: {  	s22 =	simm.s32 $0x1BFF;
	s21 =	sshll.u32 s6, $0x1;
	s3 =	sadd.s32 s4, s19  }
0x9c: {  	s7 =	simm.s32 $0x0;
	s20 =	sshll.u32 s5, $0x1;
	s5 =	sadd.s32 s21, s3  }
0x9d: {  	[timem:s7], [sflag:s22] =	dma.local [hbm:s5], s20  }
0x9e: {  	_ =	swait.ge [sflag:s22], s20  }
0x9f: {  	s4 =	ssub.s32 $0x0, s20;
	[sflag:s22] =	ssyncset.done $0x0  }
0xa0: {  	[sflag:s22] =	ssyncadd.s32 s4;
	_ =	sdelay $0x1  }
0xa1: {  	s23 =	simm.s32 $0x1B8B  }
0xa2: {  	_ =	swait.ge [sflag:s23], $0x1  }
0xa3: {  	[sflag:s23] =	ssyncset.done $0x0  }
0xa4: {  	s25 =	simm.s32 $0x1B8E;
	s24 =	sld [smem:$0x3FFE];
	[sflag:s23] =	ssyncadd.s32 $0xFFFFFFFF  }
0xa5: {  	s26 =	simm.s32 $execute0_lowered;
	[smem:$0x3FD2] =	sst s25  }
0xa6: {  	s5 =	sshll.u32 s26, $0x1;
	_ =	strace $0x80000046;
	[dreg:$0x1] =	wrdreg $0xFFFFFFFF  }
0xa7: {  	s28 =	simm.s32 $_size_execute0_lowered;
	s3 =	sadd.s32 s3, s5;
	[dreg:$0x0] =	wrdreg $0x0  }
0xa8: {  	s5 =	sshll.u32 s28, $0x1;
	[dreg:$0x2] =	wrdreg s3  }
0xa9: {  	[dreg:$0x3] =	wrdreg s5  }
0xaa: {  	[dreg:$0x4] =	wrdreg $0xC0  }
0xab: {  	_ =	task [dreg:s7], $0x5FFFF  }
0xac: {  	[dreg:$0x1] =	wrdreg $0xFFFFFFFF  }
0xad: {  	[dreg:$0x0] =	wrdreg $0x60  }
0xae: {  	[dreg:$0x2] =	wrdreg s24  }
0xaf: {  	[dreg:$0x3] =	wrdreg s2  }
0xb0: {  	[dreg:$0x4] =	wrdreg $0x9  }
0xb1: {  	_ =	task.clear_ibuf [dreg:s7], $0x5FFFF;
	_ =	strace $0x90000046  }
0xb2: {  	s29 =	simm.s32 $0x9;
	_ =	strace $0x80000048  }
0xb3: {  	_ =	swait.ge [sflag:s29], $0x1  }
0xb4: {  	[sflag:s29] =	ssyncadd.s32 $0xFFFFFFFF  }
0xb5: {  	_ =	strace $0x90000048  }
0xb6: {  	_ =	sfence  }
0xb7: {  	s30 =	sld [smem:$0x0];
	_ =	sdelay $0x2  }
0xb8: {  	s31 =	sshll.u32 s1, $0xD;
	s1 =	sshrl.u32 s1, $0x2  }
0xb9: {  	s3 =	sand.u32 $0x4000, s31;
	s1 =	sadd.s32 s1, s30  }
0xba: {  	s0 =	sor.u32 s3, s0;
	s1 =	sshll.u32 s1, $0x11  }
0xbb: {  	s0 =	sor.u32 s1, s0  }
0xbc: {  	s0 =	sadd.s32 $0x8F2B, s0  }
0xbd: {  	[sflag:s0] =	ssyncadd.remote.s32 $0x1  }
0xbe: {  	_ =	sfence.sel $0xFFFF  }
0xbf: {  	[dreg:$0x0] =	wrdreg $0xFFFFFFFF;
	(pc) =	sbr.abs _section_cstart, $3  }
0xc0: {  	[dreg:$0x1] =	wrdreg $0xFFFFFFFF  }
0xc1: {  	_ =	task.clear_ibuf [dreg:s7], $0x2FFFF;
	_ =	strace $0x9FFFFFFF  }
0xc2: {  	(tm) =	ssettm $0x7FFFFFFF  }
0xc3: {  	_ =	shalt  }
tec
execute0_lowered:
.L_overlay_start_1:
0x0: {  	(tag) =	ssettag $0x1  }
0x1: {  	s0 =	rddreg [dreg:$0x0]  }
0x2: {  	s1 =	rddreg [dreg:$0x1];
	s3 =	simm.s32 $0x0  }
0x3: {  	s2 =	srdreg.scid;
	s4 =	stileid.u32;
	s13 =	simm.s32 $0x80  }
0x4: {  	s14 =	simm.s32 $0x4000;
	s15 =	simm.s32 $0x5;
	s16 =	simm.s32 $0x100  }
0x5: {  	s17 =	simm.s32 $0x6;
	s21 =	simm.s32 $0x180;
	s22 =	simm.s32 $0x6E80  }
0x6: {  	s23 =	simm.s32 $0x1;
	s24 =	simm.s32 $0x8E80;
	s28 =	simm.s32 $0xD280  }
0x7: {  	s29 =	simm.s32 $0xF480;
	[smem:$0x7FF] =	sst s3;
	s2 =	sand.u32 $0x1, s2  }
0x8: {  	s5 =	sshll.u32 s4, $0x1;
	s4 =	sadd.s32 $0x800, s0;
	s25 =	sadd.s32 $0x19800, s0  }
0x9: {  	s6 =	sadd.s32 $0xF42C00, s0;
	s7 =	ssub.s32 $0x2, s2;
	s2 =	sor.u32 s2, s5  }
0xa: {  	_ =	strace $0x80000047;
	[dreg:$0x3] =	wrdreg s25;
	s8 =	sshll.u32 s2, $0x6  }
0xb: {  	v0 =	vlaneseq.u32;
	s25 =	simm.s32 $0xB080;
	s26 =	sshrl.u32 s7, $0x1;
	s31 =	sadd.s32 s4, s8  }
0xc: {  	v0 =	vmul.u32 $0x88, v0;
	s30 =	ssub.s32 s7, s26;
	[dreg:$0x4] =	wrdreg s31;
	s5 =	sadd.s32 $0x1000, s31  }
0xd: {  	s9 =	sshll.u32 s2, $0x2;
	s0 =	smax.u32 s30, $0x1;
	[dreg:$0x5] =	wrdreg s5  }
0xe: {  	v1 =	vadd.s32 $0x880, v0;
	v2 =	vadd.s32 $0x1100, v0;
	v3 =	vadd.s32 $0x1980, v0;
	s2 =	simm.s32 $0x0;
	s26 =	simm.s32 $0x2;
	[dreg:$0x6] =	wrdreg s0  }
.LBB2_1:
0xf: {  	[dreg:$0x7] =	wrdreg s2  }
0x10: {  	s0 =	rddreg [dreg:$0x3];
	s11 =	simm.s32 $0x200;
	s12 =	simm.s32 $0x7  }
0x11: {  	[tilespmem:s11], [sflag:$0x7] =	stream.linear.gather [hbm4b:s0+s3], $0xC80, $0x38;
	[tilespmem:$0x11680] =	vst v63  }
0x12: {  	_ =	swait.ge [sflag:s12], $0xC80  }
0x13: {  	[sflag:s12] =	ssyncset.done $0x0  }
0x14: {  	s18 =	rddreg [dreg:$0x4];
	[sflag:s12] =	ssyncadd.s32 $0xFFFFF380  }
0x15: {  	[tilespmem:s3], [sflag:$0x5] =	stream.strided.gather [hbm4b:s18+s13], $0x100, s14, s13, $0x38;
	[tilespmem:$0x11680] =	vst v63  }
0x16: {  	_ =	swait.ge [sflag:s15], $0x100  }
0x17: {  	[sflag:s15] =	ssyncset.done $0x0  }
0x18: {  	s19 =	rddreg [dreg:$0x5];
	[sflag:s15] =	ssyncadd.s32 $0xFFFFFF00  }
0x19: {  	[tilespmem:s16], [sflag:$0x6] =	stream.strided.gather [hbm4b:s19+s13], $0x100, s14, s13, $0x38;
	[tilespmem:$0x11680] =	vst v63  }
0x1a: {  	_ =	swait.ge [sflag:s17], $0x100  }
0x1b: {  	[sflag:s17] =	ssyncset.done $0x0  }
0x1c: {  	s20 =	simm.s32 $0xE80;
	[sflag:s17] =	ssyncadd.s32 $0xFFFFFF00  }
0x1d: {  	[tilespmem:s20], [sflag:$0x1] =	stream.indirect.gather [hbm4b:s6+s13], $0x40, s3, s13, $0xb8;
	[tilespmem:$0x11680] =	vst v63  }
0x1e: {  	s30 =	simm.s32 $0x2E80  }
0x1f: {  	[tilespmem:s30], [sflag:$0x1] =	stream.indirect.gather [hbm4b:s6+s13], $0x40, s13, s13, $0xb8;
	[tilespmem:$0x11680] =	vst v63  }
0x20: {  	s31 =	simm.s32 $0x4E80  }
0x21: {  	[tilespmem:s31], [sflag:$0x2] =	stream.indirect.gather [hbm4b:s6+s13], $0x40, s16, s13, $0xb8;
	[tilespmem:$0x11680] =	vst v63  }
0x22: {  	s2 =	simm.s32 $0x0  }
0x23: {  	[tilespmem:s22], [sflag:$0x2] =	stream.indirect.gather [hbm4b:s6+s13], $0x40, s21, s13, $0xb8;
	[tilespmem:$0x11680] =	vst v63  }
.LBB2_2:
0x24: {  	s11 =	sshll.u32 s2, $0x1  }
0x25: {  	p0 =	seq.s32 s2, $0x31;
	s0 =	sadd.s32 $0x2, s11  }
0x26: {  	s0 =	simm.s32 @p0 $0x0  }
0x27: {  	s5 =	smulhi.u32 $0x51EB851F, s0;
	_ =	sdelay $0x1  }
0x28: {  	_ =	swait.ge [sflag:s23], $0x2000;
	s5 =	sshrl.u32 s5, $0x3  }
0x29: {  	[sflag:s23] =	ssyncset.done $0x0;
	s7 =	smul.u32 $0x19, s5  }
0x2a: {  	s10 =	sand.u32 $0xFE, s11;
	[sflag:s23] =	ssyncadd.s32 $0xFFFFE000  }
0x2b: {  	s12 =	smul.u32 $0x29, s10;
	p0 =	seq.s32 s2, $0x0;
	s0 =	ssub.s32 s0, s7  }
0x2c: {  	_ =	swait.ge [sflag:s23], $0x2000;
	s5 =	sadd.s32 s9, s5;
	s0 =	sshll.u32 s0, $0xC  }
0x2d: {  	[sflag:s23] =	ssyncset.done $0x0;
	s5 =	sshll.u32 s5, $0x4;
	s0 =	sadd.s32 s4, s0  }
0x2e: {  	[sflag:s23] =	ssyncadd.s32 $0xFFFFE000;
	s7 =	simm.s32 @!p0 $0x3;
	s0 =	sadd.s32 s5, s0  }
0x2f: {  	[tilespmem:s3], [sflag:$0x5] =	stream.strided.gather [hbm4b:s0+s13], $0x100, s14, s13, $0x38;
	[tilespmem:$0x11680] =	vst v63  }
0x30: {  	s8 =	sshrl.u32 s12, $0xA;
	_ =	swait.ge @!p0 [sflag:s7], $0x2000  }
0x31: {  	s0 =	smul.u32 $0x19, s8;
	[sflag:s7] =	ssyncset.done @!p0 $0x0  }
0x32: {  	[sflag:s7] =	ssyncadd.s32 @!p0 $0xFFFFE000  }
0x33: {  	s0 =	ssub.s32 s11, s0;
	_ =	swait.ge @!p0 [sflag:s7], $0x2000  }
0x34: {  	s5 =	sand.u32 $0xFF, s0;
	[sflag:s7] =	ssyncset.done @!p0 $0x0  }
0x35: {  	s0 =	sshll.u32 s5, $0x7;
	[sflag:s7] =	ssyncadd.s32 @!p0 $0xFFFFE000  }
0x36: {  	s30 =	simm.s32 $0xEC0;
	s18 =	simm.s32 $0x1;
	v9 =	vld [tilespmem:s0+$0x200]  }
0x37: {  	v4 =	vmov s18;
	v6 =	vld [tilespmem:s30+$0x0]  }
0x38: {  	v14 =	vand.u32 $0x7F, v4  }
0x39: {  	v8 =	vadd.s32 v0, v14  }
0x3a: {  	s19 =	simm.s32 $0x0;
	v7 =	vld [tilespmem:s0+$0x210]  }
0x3b: {  	v4 =	vmov s19;
	v10 =	vld [tilespmem:s30+$0xFFFFFFC0]  }
0x3c: {  	v18 =	vand.u32 $0x7E, v4;
	v5 =	vld [tilespmem:s0+$0x220];
	v6 =	vadd.f32 v6, v9  }
0x3d: {  	s20 =	simm.s32 $0x3;
	s10 =	simm.s32 $0xF40;
	v11 =	vadd.s32 v0, v18;
	v4 =	vld [tilespmem:s0+$0x230]  }
0x3e: {  	v12 =	vld [tilespmem:s10+$0x0];
	[tilespmem:v8+s24+$0x0] =	vst.idx.msk $0xffff, v6;
	v6 =	vmov s20  }
0x3f: {  	v6 =	vand.u32 $0x7F, v6;
	v13 =	vld [tilespmem:s30+$0x10]  }
0x40: {  	v8 =	vadd.f32 v10, v9;
	v10 =	vadd.s32 v0, v6  }
0x41: {  	v15 =	vadd.s32 v1, v14;
	s7 =	simm.s32 $0x2  }
0x42: {  	[tilespmem:v11+s24+$0x0] =	vst.idx.msk $0xffff, v8;
	v8 =	vmov s7;
	v11 =	vld [tilespmem:s10+$0xFFFFFFC0]  }
0x43: {  	v12 =	vadd.f32 v12, v9;
	v8 =	vand.u32 $0x7E, v8;
	v16 =	vld [tilespmem:s30+$0xFFFFFFD0]  }
0x44: {  	s12 =	simm.s32 $0x5;
	s7 =	simm.s32 $0xFC0;
	v17 =	vadd.s32 v0, v8;
	v13 =	vadd.f32 v13, v7  }
0x45: {  	v19 =	vld [tilespmem:s7+$0x0];
	[tilespmem:v10+s24+$0x0] =	vst.idx.msk $0xffff, v12;
	v12 =	vadd.s32 v1, v18;
	v10 =	vmov s12  }
0x46: {  	[tilespmem:v15+s24+$0x0] =	vst.idx.msk $0xffff, v13;
	v10 =	vand.u32 $0x7F, v10;
	v13 =	vld [tilespmem:s10+$0x10]  }
0x47: {  	v11 =	vadd.f32 v11, v9;
	v15 =	vadd.s32 v0, v10;
	v20 =	vld [tilespmem:s30+$0x20]  }
0x48: {  	s18 =	simm.s32 $0x4;
	v21 =	vadd.s32 v1, v6;
	v16 =	vadd.f32 v16, v7  }
0x49: {  	v22 =	vadd.s32 v2, v14;
	[tilespmem:v17+s24+$0x0] =	vst.idx.msk $0xffff, v11;
	v11 =	vmov s18;
	v17 =	vld [tilespmem:s7+$0xFFFFFFC0]  }
0x4a: {  	v11 =	vand.u32 $0x7E, v11;
	[tilespmem:v12+s24+$0x0] =	vst.idx.msk $0xffff, v16;
	v12 =	vadd.f32 v19, v9;
	v16 =	vld [tilespmem:s10+$0xFFFFFFD0]  }
0x4b: {  	s19 =	simm.s32 $0x7;
	s12 =	simm.s32 $0x1040;
	v19 =	vadd.s32 v0, v11;
	v13 =	vadd.f32 v13, v7;
	v23 =	vld [tilespmem:s30+$0xFFFFFFE0]  }
0x4c: {  	v24 =	vld [tilespmem:s12+$0x0];
	[tilespmem:v15+s24+$0x0] =	vst.idx.msk $0xffff, v12;
	v15 =	vadd.s32 v1, v8;
	v20 =	vadd.f32 v20, v5;
	v12 =	vmov s19  }
0x4d: {  	[tilespmem:v21+s24+$0x0] =	vst.idx.msk $0xffff, v13;
	v21 =	vadd.s32 v2, v18;
	v12 =	vand.u32 $0x7F, v12;
	v25 =	vld [tilespmem:s7+$0x10]  }
0x4e: {  	v13 =	vadd.f32 v17, v9;
	[tilespmem:v22+s24+$0x0] =	vst.idx.msk $0xffff, v20;
	v17 =	vadd.s32 v0, v12;
	v20 =	vld [tilespmem:s10+$0x20]  }
0x4f: {  	s20 =	simm.s32 $0x6;
	v26 =	vadd.s32 v1, v10;
	v16 =	vadd.f32 v16, v7;
	v27 =	vld [tilespmem:s30+$0x30]  }
0x50: {  	v28 =	vadd.s32 v2, v6;
	[tilespmem:v19+s24+$0x0] =	vst.idx.msk $0xffff, v13;
	v13 =	vmov s20;
	v19 =	vadd.f32 v23, v5;
	v23 =	vld [tilespmem:s12+$0xFFFFFFC0]  }
0x51: {  	v30 =	vadd.s32 v3, v14;
	v13 =	vand.u32 $0x7E, v13;
	v29 =	vld [tilespmem:s7+$0xFFFFFFD0];
	[tilespmem:v15+s24+$0x0] =	vst.idx.msk $0xffff, v16;
	v16 =	vadd.f32 v24, v9  }
0x52: {  	[tilespmem:v21+s24+$0x0] =	vst.idx.msk $0xffff, v19;
	v21 =	vadd.s32 v0, v13;
	v14 =	vadd.f32 v25, v7;
	v15 =	vld [tilespmem:s10+$0xFFFFFFE0]  }
0x53: {  	s0 =	simm.s32 $0x10C0;
	s18 =	simm.s32 $0x9;
	v19 =	vadd.s32 v1, v11;
	[tilespmem:v17+s24+$0x0] =	vst.idx.msk $0xffff, v16;
	v20 =	vadd.f32 v20, v5;
	v16 =	vld [tilespmem:s30+$0xFFFFFFF0]  }
0x54: {  	v22 =	vld [tilespmem:s0+$0x0];
	v24 =	vmov s18;
	v17 =	vadd.s32 v2, v8;
	[tilespmem:v26+s24+$0x0] =	vst.idx.msk $0xffff, v14;
	v27 =	vadd.f32 v27, v4  }
0x55: {  	s31 =	simm.s32 $0x10C0;
	s8 =	sadd.s32 s8, s9;
	v18 =	vadd.s32 v3, v18;
	v14 =	vand.u32 $0x7F, v24;
	v26 =	vadd.f32 v23, v9;
	v23 =	vld [tilespmem:s12+$0x10];
	[tilespmem:v28+s24+$0x0] =	vst.idx.msk $0xffff, v20  }
0x56: {  	s19 =	simm.s32 $0x8;
	s18 =	simm.s32 $0xA;
	s30 =	sshll.u32 s5, $0x1;
	v24 =	vadd.s32 v0, v14;
	v25 =	vadd.f32 v29, v7;
	v20 =	vld [tilespmem:s7+$0x20];
	[tilespmem:v30+s24+$0x0] =	vst.idx.msk $0xffff, v27  }
.LBB2_3:
0x57: {  	p1 =	slt.u32 s18, $0x7E;
	[tilespmem:v21+s24+$0x0] =	vst.idx.msk $0xffff, v26;
	v26 =	vadd.s32 v1, v12;
	v15 =	vadd.f32 v15, v5;
	v27 =	vld [tilespmem:s10+$0x30];
	v28 =	vmov v11  }
0x58: {  	v21 =	vmov s19;
	v11 =	vmovc v13;
	s19 =	smov.u32 s18;
	v29 =	vld [tilespmem:s0+$0xFFFFFFC0];
	[tilespmem:v19+s24+$0x0] =	vst.idx.msk $0xffff, v25;
	v25 =	vadd.s32 v2, v10;
	v16 =	vadd.f32 v16, v4  }
0x59: {  	v31 =	vadd.s32 v3, v6;
	v13 =	vand.u32 $0x7E, v21;
	v19 =	vadd.f32 v22, v9;
	v30 =	vld [tilespmem:s12+$0xFFFFFFD0];
	[tilespmem:v17+s24+$0x0] =	vst.idx.msk $0xffff, v15  }
.Ltmp0:
0x5a: {  	v6 =	vmov v10;
	v21 =	vadd.s32 v0, v13;
	v17 =	vadd.f32 v23, v7;
	v15 =	vld [tilespmem:s7+$0xFFFFFFE0];
	[tilespmem:v18+s24+$0x0] =	vst.idx.msk $0xffff, v16;
	(pc) =	sbr.rel @p1 .LBB2_3-.Ltmp0, $4  }
0x5b: {  	s20 =	sadd.s32 $0x1, s18;
	s0 =	sadd.s32 $0x80, s0;
	v10 =	vmov v12;
	[tilespmem:v24+s24+$0x0] =	vst.idx.msk $0xffff, v19;
	v19 =	vadd.s32 v1, v11;
	v18 =	vadd.f32 v20, v5;
	v16 =	vld [tilespmem:s10+$0xFFFFFFF0];
	s10 =	smov.u32 s7  }
0x5c: {  	v12 =	vmovc v14;
	v20 =	vmov s20;
	s7 =	smov.u32 s12;
	s12 =	smov.u32 s31;
	s31 =	smov.u32 s0;
	v22 =	vld [tilespmem:s0+$0x0];
	[tilespmem:v26+s24+$0x0] =	vst.idx.msk $0xffff, v17;
	v17 =	vadd.s32 v2, v28;
	v27 =	vadd.f32 v27, v4  }
0x5d: {  	v14 =	vand.u32 $0x7F, v20;
	v26 =	vadd.f32 v29, v9;
	v23 =	vld [tilespmem:s12+$0x10];
	[tilespmem:v25+s24+$0x0] =	vst.idx.msk $0xffff, v18;
	v18 =	vadd.s32 v3, v8  }
0x5e: {  	s18 =	sadd.s32 $0x2, s18;
	v24 =	vadd.s32 v0, v14;
	v8 =	vmov v28;
	v25 =	vadd.f32 v30, v7;
	v20 =	vld [tilespmem:s7+$0x20];
	[tilespmem:v31+s24+$0x0] =	vst.idx.msk $0xffff, v27  }
0x5f: {  	v27 =	vmov s19;
	v28 =	vld [tilespmem:s0+$0xFFFFFFC0]  }
0x60: {  	v27 =	vand.u32 $0x7E, v27  }
0x61: {  	v29 =	vadd.s32 v0, v27;
	_ =	sdelay $0x1  }
0x62: {  	v22 =	vadd.f32 v22, v9  }
0x63: {  	[tilespmem:v21+s24+$0x0] =	vst.idx.msk $0xffff, v26;
	v9 =	vadd.f32 v28, v9  }
0x64: {  	v21 =	vld [tilespmem:s12+$0xFFFFFFD0];
	[tilespmem:v24+s24+$0x0] =	vst.idx.msk $0xffff, v22  }
0x65: {  	v22 =	vadd.s32 v1, v12;
	v24 =	vld [tilespmem:s31+$0x10];
	[tilespmem:v29+s24+$0x0] =	vst.idx.msk $0xffff, v9  }
0x66: {  	v9 =	vadd.s32 v1, v13;
	v26 =	vld [tilespmem:s31+$0xFFFFFFD0]  }
0x67: {  	v61 =	vadd.s32 v1, v14  }
0x68: {  	v62 =	vadd.s32 v1, v27;
	v23 =	vadd.f32 v23, v7  }
0x69: {  	[tilespmem:v19+s24+$0x0] =	vst.idx.msk $0xffff, v25;
	v19 =	vadd.f32 v21, v7  }
0x6a: {  	v21 =	vld [tilespmem:s7+$0xFFFFFFE0];
	[tilespmem:v22+s24+$0x0] =	vst.idx.msk $0xffff, v23;
	v22 =	vadd.f32 v24, v7  }
0x6b: {  	v23 =	vadd.s32 v2, v10;
	v24 =	vld [tilespmem:s12+$0x20];
	[tilespmem:v9+s24+$0x0] =	vst.idx.msk $0xffff, v19;
	v7 =	vadd.f32 v26, v7  }
0x6c: {  	v9 =	vadd.f32 v15, v5;
	v15 =	vadd.s32 v2, v11;
	[tilespmem:v61+s24+$0x0] =	vst.idx.msk $0xffff, v22;
	v19 =	vld [tilespmem:s12+$0xFFFFFFE0]  }
0x6d: {  	v16 =	vadd.f32 v16, v4;
	v22 =	vadd.s32 v2, v12;
	v25 =	vld [tilespmem:s31+$0x20];
	[tilespmem:v62+s24+$0x0] =	vst.idx.msk $0xffff, v7  }
0x6e: {  	[tilespmem:v17+s24+$0x0] =	vst.idx.msk $0xffff, v9;
	v9 =	vadd.s32 v2, v13;
	v7 =	vadd.f32 v20, v5;
	v17 =	vld [tilespmem:s31+$0xFFFFFFE0]  }
0x6f: {  	[tilespmem:v18+s24+$0x0] =	vst.idx.msk $0xffff, v16;
	v18 =	vadd.s32 v2, v14;
	v16 =	vadd.f32 v21, v5;
	v20 =	vld [tilespmem:s10+$0x30]  }
0x70: {  	v21 =	vld [tilespmem:s10+$0xFFFFFFF0];
	[tilespmem:v23+s24+$0x0] =	vst.idx.msk $0xffff, v7;
	v7 =	vadd.f32 v24, v5;
	v23 =	vadd.s32 v2, v27  }
0x71: {  	v6 =	vadd.s32 v3, v6;
	[tilespmem:v15+s24+$0x0] =	vst.idx.msk $0xffff, v16;
	v24 =	vld [tilespmem:s7+$0x30];
	v15 =	vadd.f32 v19, v5  }
0x72: {  	v8 =	vadd.s32 v3, v8;
	v16 =	vld [tilespmem:s7+$0xFFFFFFF0];
	[tilespmem:v22+s24+$0x0] =	vst.idx.msk $0xffff, v7;
	v7 =	vadd.f32 v25, v5  }
0x73: {  	v10 =	vadd.s32 v3, v10;
	v19 =	vld [tilespmem:s12+$0x30];
	[tilespmem:v9+s24+$0x0] =	vst.idx.msk $0xffff, v15;
	v5 =	vadd.f32 v17, v5  }
0x74: {  	v11 =	vadd.s32 v3, v11;
	v9 =	vadd.f32 v20, v4;
	v15 =	vld [tilespmem:s12+$0xFFFFFFF0];
	[tilespmem:v18+s24+$0x0] =	vst.idx.msk $0xffff, v7  }
0x75: {  	v12 =	vadd.s32 v3, v12;
	v7 =	vadd.f32 v21, v4;
	v17 =	vld [tilespmem:s31+$0x30];
	[tilespmem:v23+s24+$0x0] =	vst.idx.msk $0xffff, v5  }
0x76: {  	[tilespmem:v6+s24+$0x0] =	vst.idx.msk $0xffff, v9;
	v6 =	vadd.s32 v3, v13;
	v5 =	vadd.f32 v24, v4;
	v9 =	vld [tilespmem:s31+$0xFFFFFFF0]  }
0x77: {  	[tilespmem:v8+s24+$0x0] =	vst.idx.msk $0xffff, v7;
	v7 =	vadd.f32 v16, v4;
	v8 =	vadd.s32 v3, v14  }
0x78: {  	[tilespmem:v10+s24+$0x0] =	vst.idx.msk $0xffff, v5;
	v5 =	vadd.f32 v19, v4;
	v10 =	vadd.s32 v3, v27  }
0x79: {  	[tilespmem:v11+s24+$0x0] =	vst.idx.msk $0xffff, v7;
	v7 =	vadd.f32 v15, v4  }
0x7a: {  	[tilespmem:v12+s24+$0x0] =	vst.idx.msk $0xffff, v5;
	v5 =	vadd.f32 v17, v4  }
0x7b: {  	[tilespmem:v6+s24+$0x0] =	vst.idx.msk $0xffff, v7;
	v4 =	vadd.f32 v9, v4  }
0x7c: {  	s10 =	sor.u32 $0x1, s30;
	[tilespmem:v8+s24+$0x0] =	vst.idx.msk $0xffff, v5  }
0x7d: {  	s19 =	sshll.u32 s10, $0x6;
	[tilespmem:v10+s24+$0x0] =	vst.idx.msk $0xffff, v4  }
0x7e: {  	s20 =	simm.s32 $0x1;
	s31 =	simm.s32 $0x2EC0;
	v9 =	vld [tilespmem:s19+$0x200]  }
0x7f: {  	v4 =	vmov s20;
	v6 =	vld [tilespmem:s31+$0x0]  }
0x80: {  	v14 =	vand.u32 $0x7F, v4  }
0x81: {  	v8 =	vadd.s32 v0, v14  }
0x82: {  	s12 =	simm.s32 $0x0;
	v7 =	vld [tilespmem:s19+$0x210]  }
0x83: {  	v4 =	vmov s12;
	v10 =	vld [tilespmem:s31+$0xFFFFFFC0]  }
0x84: {  	s7 =	simm.s32 $0x2F40;
	v5 =	vld [tilespmem:s19+$0x220];
	v18 =	vand.u32 $0x7E, v4;
	v6 =	vadd.f32 v6, v9  }
0x85: {  	s18 =	simm.s32 $0x3;
	v12 =	vld [tilespmem:s7+$0x0];
	v11 =	vadd.s32 v0, v18  }
0x86: {  	v4 =	vld [tilespmem:s19+$0x230];
	[tilespmem:v8+s25+$0x0] =	vst.idx.msk $0xffff, v6;
	v6 =	vmov s18  }
0x87: {  	v6 =	vand.u32 $0x7F, v6;
	v13 =	vld [tilespmem:s31+$0x10]  }
0x88: {  	v8 =	vadd.f32 v10, v9;
	v10 =	vadd.s32 v0, v6  }
0x89: {  	s19 =	simm.s32 $0x2;
	v15 =	vadd.s32 v1, v14  }
0x8a: {  	[tilespmem:v11+s25+$0x0] =	vst.idx.msk $0xffff, v8;
	v8 =	vmov s19;
	v11 =	vld [tilespmem:s7+$0xFFFFFFC0]  }
0x8b: {  	v12 =	vadd.f32 v12, v9;
	v8 =	vand.u32 $0x7E, v8;
	v16 =	vld [tilespmem:s31+$0xFFFFFFD0]  }
0x8c: {  	s20 =	simm.s32 $0x5;
	s12 =	simm.s32 $0x2FC0;
	v17 =	vadd.s32 v0, v8;
	v13 =	vadd.f32 v13, v7  }
0x8d: {  	v19 =	vld [tilespmem:s12+$0x0];
	[tilespmem:v10+s25+$0x0] =	vst.idx.msk $0xffff, v12;
	v12 =	vadd.s32 v1, v18;
	v10 =	vmov s20  }
0x8e: {  	[tilespmem:v15+s25+$0x0] =	vst.idx.msk $0xffff, v13;
	v10 =	vand.u32 $0x7F, v10;
	v13 =	vld [tilespmem:s7+$0x10]  }
0x8f: {  	v11 =	vadd.f32 v11, v9;
	v15 =	vadd.s32 v0, v10;
	v20 =	vld [tilespmem:s31+$0x20]  }
0x90: {  	s18 =	simm.s32 $0x4;
	v21 =	vadd.s32 v1, v6;
	v16 =	vadd.f32 v16, v7  }
0x91: {  	v22 =	vadd.s32 v2, v14;
	[tilespmem:v17+s25+$0x0] =	vst.idx.msk $0xffff, v11;
	v11 =	vmov s18;
	v17 =	vld [tilespmem:s12+$0xFFFFFFC0]  }
0x92: {  	v11 =	vand.u32 $0x7E, v11;
	[tilespmem:v12+s25+$0x0] =	vst.idx.msk $0xffff, v16;
	v12 =	vadd.f32 v19, v9;
	v16 =	vld [tilespmem:s7+$0xFFFFFFD0]  }
0x93: {  	s30 =	simm.s32 $0x3040;
	s19 =	simm.s32 $0x7;
	v19 =	vadd.s32 v0, v11;
	v13 =	vadd.f32 v13, v7;
	v23 =	vld [tilespmem:s31+$0xFFFFFFE0]  }
0x94: {  	v24 =	vld [tilespmem:s30+$0x0];
	[tilespmem:v15+s25+$0x0] =	vst.idx.msk $0xffff, v12;
	v15 =	vadd.s32 v1, v8;
	v20 =	vadd.f32 v20, v5;
	v12 =	vmov s19  }
0x95: {  	[tilespmem:v21+s25+$0x0] =	vst.idx.msk $0xffff, v13;
	v21 =	vadd.s32 v2, v18;
	v12 =	vand.u32 $0x7F, v12;
	v25 =	vld [tilespmem:s12+$0x10]  }
0x96: {  	v13 =	vadd.f32 v17, v9;
	[tilespmem:v22+s25+$0x0] =	vst.idx.msk $0xffff, v20;
	v17 =	vadd.s32 v0, v12;
	v20 =	vld [tilespmem:s7+$0x20]  }
0x97: {  	s20 =	simm.s32 $0x6;
	v26 =	vadd.s32 v1, v10;
	v16 =	vadd.f32 v16, v7;
	v27 =	vld [tilespmem:s31+$0x30]  }
0x98: {  	v63 =	vadd.s32 v2, v6;
	[tilespmem:v19+s25+$0x0] =	vst.idx.msk $0xffff, v13;
	v13 =	vmov s20;
	v19 =	vadd.f32 v23, v5;
	v23 =	vld [tilespmem:s30+$0xFFFFFFC0]  }
0x99: {  	v30 =	vadd.s32 v3, v14;
	v13 =	vand.u32 $0x7E, v13;
	v29 =	vld [tilespmem:s12+$0xFFFFFFD0];
	[tilespmem:v15+s25+$0x0] =	vst.idx.msk $0xffff, v16;
	v16 =	vadd.f32 v24, v9  }
0x9a: {  	[tilespmem:v21+s25+$0x0] =	vst.idx.msk $0xffff, v19;
	v21 =	vadd.s32 v0, v13;
	v14 =	vadd.f32 v25, v7;
	v15 =	vld [tilespmem:s7+$0xFFFFFFE0]  }
0x9b: {  	s0 =	simm.s32 $0x30C0;
	s18 =	simm.s32 $0x9;
	v19 =	vadd.s32 v1, v11;
	[tilespmem:v17+s25+$0x0] =	vst.idx.msk $0xffff, v16;
	v20 =	vadd.f32 v20, v5;
	v16 =	vld [tilespmem:s31+$0xFFFFFFF0]  }
0x9c: {  	v22 =	vld [tilespmem:s0+$0x0];
	v24 =	vmov s18;
	v17 =	vadd.s32 v2, v8;
	[tilespmem:v26+s25+$0x0] =	vst.idx.msk $0xffff, v14;
	v27 =	vadd.f32 v27, v4  }
0x9d: {  	v18 =	vadd.s32 v3, v18;
	v14 =	vand.u32 $0x7F, v24;
	v26 =	vadd.f32 v23, v9;
	v23 =	vld [tilespmem:s30+$0x10];
	[tilespmem:v63+s25+$0x0] =	vst.idx.msk $0xffff, v20  }
0x9e: {  	s19 =	simm.s32 $0x8;
	s18 =	simm.s32 $0xA;
	s31 =	simm.s32 $0x30C0;
	v24 =	vadd.s32 v0, v14;
	v25 =	vadd.f32 v29, v7;
	v20 =	vld [tilespmem:s12+$0x20];
	[tilespmem:v30+s25+$0x0] =	vst.idx.msk $0xffff, v27  }
.LBB2_5:
0x9f: {  	p1 =	slt.u32 s18, $0x7E;
	[tilespmem:v21+s25+$0x0] =	vst.idx.msk $0xffff, v26;
	v26 =	vadd.s32 v1, v12;
	v15 =	vadd.f32 v15, v5;
	v27 =	vld [tilespmem:s7+$0x30];
	v28 =	vmov v11  }
0xa0: {  	v21 =	vmov s19;
	v11 =	vmovc v13;
	s19 =	smov.u32 s18;
	v29 =	vld [tilespmem:s0+$0xFFFFFFC0];
	[tilespmem:v19+s25+$0x0] =	vst.idx.msk $0xffff, v25;
	v25 =	vadd.s32 v2, v10;
	v16 =	vadd.f32 v16, v4  }
0xa1: {  	v31 =	vadd.s32 v3, v6;
	v13 =	vand.u32 $0x7E, v21;
	v19 =	vadd.f32 v22, v9;
	v30 =	vld [tilespmem:s30+$0xFFFFFFD0];
	[tilespmem:v17+s25+$0x0] =	vst.idx.msk $0xffff, v15  }
.Ltmp1:
0xa2: {  	v6 =	vmov v10;
	v21 =	vadd.s32 v0, v13;
	v17 =	vadd.f32 v23, v7;
	v15 =	vld [tilespmem:s12+$0xFFFFFFE0];
	[tilespmem:v18+s25+$0x0] =	vst.idx.msk $0xffff, v16;
	(pc) =	sbr.rel @p1 .LBB2_5-.Ltmp1, $4  }
0xa3: {  	s20 =	sadd.s32 $0x1, s18;
	s0 =	sadd.s32 $0x80, s0;
	v10 =	vmov v12;
	[tilespmem:v24+s25+$0x0] =	vst.idx.msk $0xffff, v19;
	v19 =	vadd.s32 v1, v11;
	v18 =	vadd.f32 v20, v5;
	v16 =	vld [tilespmem:s7+$0xFFFFFFF0];
	s7 =	smov.u32 s12  }
0xa4: {  	v12 =	vmovc v14;
	v20 =	vmov s20;
	s12 =	smov.u32 s30;
	s30 =	smov.u32 s31;
	s31 =	smov.u32 s0;
	v22 =	vld [tilespmem:s0+$0x0];
	[tilespmem:v26+s25+$0x0] =	vst.idx.msk $0xffff, v17;
	v17 =	vadd.s32 v2, v28;
	v27 =	vadd.f32 v27, v4  }
0xa5: {  	v14 =	vand.u32 $0x7F, v20;
	v26 =	vadd.f32 v29, v9;
	v23 =	vld [tilespmem:s30+$0x10];
	[tilespmem:v25+s25+$0x0] =	vst.idx.msk $0xffff, v18;
	v18 =	vadd.s32 v3, v8  }
0xa6: {  	s18 =	sadd.s32 $0x2, s18;
	v24 =	vadd.s32 v0, v14;
	v8 =	vmov v28;
	v25 =	vadd.f32 v30, v7;
	v20 =	vld [tilespmem:s12+$0x20];
	[tilespmem:v31+s25+$0x0] =	vst.idx.msk $0xffff, v27  }
0xa7: {  	v27 =	vmov s19;
	v28 =	vld [tilespmem:s0+$0xFFFFFFC0]  }
0xa8: {  	v27 =	vand.u32 $0x7E, v27  }
0xa9: {  	v29 =	vadd.s32 v0, v27;
	_ =	sdelay $0x1  }
0xaa: {  	v22 =	vadd.f32 v22, v9  }
0xab: {  	[tilespmem:v21+s25+$0x0] =	vst.idx.msk $0xffff, v26;
	v57 =	vadd.f32 v28, v9  }
0xac: {  	v21 =	vld [tilespmem:s30+$0xFFFFFFD0];
	[tilespmem:v24+s25+$0x0] =	vst.idx.msk $0xffff, v22  }
0xad: {  	v58 =	vadd.s32 v1, v12;
	v24 =	vld [tilespmem:s31+$0x10];
	[tilespmem:v29+s25+$0x0] =	vst.idx.msk $0xffff, v57  }
0xae: {  	v59 =	vadd.s32 v1, v13;
	v60 =	vld [tilespmem:s31+$0xFFFFFFD0]  }
0xaf: {  	v61 =	vadd.s32 v1, v14  }
0xb0: {  	v62 =	vadd.s32 v1, v27;
	v23 =	vadd.f32 v23, v7  }
0xb1: {  	[tilespmem:v19+s25+$0x0] =	vst.idx.msk $0xffff, v25;
	v63 =	vadd.f32 v21, v7  }
0xb2: {  	v30 =	vld [tilespmem:s12+$0xFFFFFFE0];
	[tilespmem:v58+s25+$0x0] =	vst.idx.msk $0xffff, v23;
	v31 =	vadd.f32 v24, v7  }
0xb3: {  	v32 =	vadd.s32 v2, v10;
	v33 =	vld [tilespmem:s30+$0x20];
	[tilespmem:v59+s25+$0x0] =	vst.idx.msk $0xffff, v63;
	v34 =	vadd.f32 v60, v7  }
0xb4: {  	v35 =	vadd.f32 v15, v5;
	v36 =	vadd.s32 v2, v11;
	v19 =	vld [tilespmem:s30+$0xFFFFFFE0];
	[tilespmem:v61+s25+$0x0] =	vst.idx.msk $0xffff, v31  }
0xb5: {  	v37 =	vadd.s32 v2, v12;
	v16 =	vadd.f32 v16, v4;
	v38 =	vld [tilespmem:s31+$0x20];
	[tilespmem:v62+s25+$0x0] =	vst.idx.msk $0xffff, v34  }
0xb6: {  	v40 =	vadd.s32 v2, v13;
	[tilespmem:v17+s25+$0x0] =	vst.idx.msk $0xffff, v35;
	v39 =	vadd.f32 v20, v5;
	v41 =	vld [tilespmem:s31+$0xFFFFFFE0]  }
0xb7: {  	v42 =	vld [tilespmem:s7+$0x30];
	v44 =	vadd.s32 v2, v14;
	[tilespmem:v18+s25+$0x0] =	vst.idx.msk $0xffff, v16;
	v43 =	vadd.f32 v30, v5  }
0xb8: {  	v47 =	vadd.s32 v2, v27;
	v45 =	vld [tilespmem:s7+$0xFFFFFFF0];
	[tilespmem:v32+s25+$0x0] =	vst.idx.msk $0xffff, v39;
	v46 =	vadd.f32 v33, v5  }
0xb9: {  	v6 =	vadd.s32 v3, v6;
	v48 =	vld [tilespmem:s12+$0x30];
	[tilespmem:v36+s25+$0x0] =	vst.idx.msk $0xffff, v43;
	v49 =	vadd.f32 v19, v5  }
0xba: {  	v8 =	vadd.s32 v3, v8;
	v16 =	vld [tilespmem:s12+$0xFFFFFFF0];
	[tilespmem:v37+s25+$0x0] =	vst.idx.msk $0xffff, v46;
	v50 =	vadd.f32 v38, v5  }
0xbb: {  	v51 =	vadd.s32 v3, v10;
	v52 =	vld [tilespmem:s30+$0x30];
	[tilespmem:v40+s25+$0x0] =	vst.idx.msk $0xffff, v49;
	v5 =	vadd.f32 v41, v5  }
0xbc: {  	v54 =	vadd.s32 v3, v11;
	v53 =	vadd.f32 v42, v4;
	v15 =	vld [tilespmem:s30+$0xFFFFFFF0];
	[tilespmem:v44+s25+$0x0] =	vst.idx.msk $0xffff, v50  }
0xbd: {  	v56 =	vadd.s32 v3, v12;
	v55 =	vadd.f32 v45, v4;
	v57 =	vld [tilespmem:s31+$0x30];
	[tilespmem:v47+s25+$0x0] =	vst.idx.msk $0xffff, v5  }
0xbe: {  	v58 =	vadd.s32 v3, v13;
	[tilespmem:v6+s25+$0x0] =	vst.idx.msk $0xffff, v53;
	v5 =	vadd.f32 v48, v4;
	v59 =	vld [tilespmem:s31+$0xFFFFFFF0]  }
0xbf: {  	[tilespmem:v8+s25+$0x0] =	vst.idx.msk $0xffff, v55;
	v61 =	vadd.s32 v3, v14;
	v60 =	vadd.f32 v16, v4  }
0xc0: {  	v62 =	vadd.s32 v3, v27;
	[tilespmem:v51+s25+$0x0] =	vst.idx.msk $0xffff, v5;
	v5 =	vadd.f32 v52, v4  }
0xc1: {  	[tilespmem:v54+s25+$0x0] =	vst.idx.msk $0xffff, v60;
	v63 =	vadd.f32 v15, v4  }
0xc2: {  	s5 =	sshll.u32 s5, $0x15;
	s7 =	sshll.u32 s8, $0xA;
	[tilespmem:v56+s25+$0x0] =	vst.idx.msk $0xffff, v5;
	v5 =	vadd.f32 v57, v4  }
0xc3: {  	s0 =	sor.u32 s5, s7;
	[tilespmem:v58+s25+$0x0] =	vst.idx.msk $0xffff, v63;
	v4 =	vadd.f32 v59, v4  }
0xc4: {  	s0 =	sshrl.u32 s0, $0x3;
	[tilespmem:v61+s25+$0x0] =	vst.idx.msk $0xffff, v5  }
0xc5: {  	s8 =	simm.s32 $0x8E80;
	s5 =	sadd.s32 s1, s0;
	[tilespmem:v62+s25+$0x0] =	vst.idx.msk $0xffff, v4  }
0xc6: {  	[hbm4b:s5+s3] =	stream.linear.scatter [tilespmem:s8], [sflag:$0x3], $0x80, $0x38;
	[tilespmem:$0x11680] =	vst v63  }
0xc7: {  	s18 =	sadd.s32 $0x10, s5;
	s12 =	simm.s32 $0x8F08  }
0xc8: {  	[hbm4b:s18+s3] =	stream.linear.scatter [tilespmem:s12], [sflag:$0x3], $0x80, $0x38;
	[tilespmem:$0x11680] =	vst v63  }
0xc9: {  	s19 =	simm.s32 $0x8F90;
	s0 =	simm.s32 $0x440;
	s20 =	sadd.s32 $0x20, s5  }
0xca: {  	[hbm4b:s20+s3] =	stream.linear.scatter [tilespmem:s19], [sflag:$0x3], $0x80, $0x38;
	[tilespmem:$0x11680] =	vst v63  }
0xcb: {  	s30 =	simm.s32 $0x9018;
	s31 =	sadd.s32 $0x30, s5;
	s8 =	simm.s32 $0x2200  }
0xcc: {  	[hbm4b:s31+s3] =	stream.linear.scatter [tilespmem:s30], [sflag:$0x3], $0x80, $0x38;
	[tilespmem:$0x11680] =	vst v63  }
0xcd: {  	s12 =	simm.s32 $0x90A0;
	s18 =	sadd.s32 $0x40, s5;
	s19 =	simm.s32 $0x9128  }
0xce: {  	[hbm4b:s18+s3] =	stream.linear.scatter [tilespmem:s12], [sflag:$0x3], $0x80, $0x38;
	[tilespmem:$0x11680] =	vst v63  }
0xcf: {  	s20 =	sadd.s32 $0x50, s5;
	s30 =	simm.s32 $0x91B0;
	s31 =	sadd.s32 $0x60, s5  }
0xd0: {  	[hbm4b:s20+s3] =	stream.linear.scatter [tilespmem:s19], [sflag:$0x3], $0x80, $0x38;
	[tilespmem:$0x11680] =	vst v63  }
0xd1: {  	s12 =	simm.s32 $0x9238;
	s18 =	sadd.s32 $0x70, s5;
	s5 =	sadd.s32 $0x4000, s5  }
0xd2: {  	[hbm4b:s31+s3] =	stream.linear.scatter [tilespmem:s30], [sflag:$0x3], $0x80, $0x38;
	[tilespmem:$0x11680] =	vst v63  }
.LBB2_7:
0xd3: {  	[hbm4b:s18+s3] =	stream.linear.scatter [tilespmem:s12], [sflag:$0x3], $0x80, $0x38;
	[tilespmem:$0x11680] =	vst v63  }
0xd4: {  	s12 =	smov.u32 s0;
	s0 =	smov.u32 s8  }
0xd5: {  	s19 =	sadd.s32 $0x1100, s8;
	s0 =	sshra.s32 s0, $0x2;
	s18 =	sadd.s32 $0x8E80, s12  }
0xd6: {  	[hbm4b:s5+s3] =	stream.linear.scatter [tilespmem:s18], [sflag:$0x3], $0x80, $0x38;
	[tilespmem:$0x11680] =	vst v63  }
0xd7: {  	p1 =	sne.s32 s8, $0x7700;
	s8 =	sadd.s32 $0x8F08, s12;
	s18 =	sadd.s32 $0x10, s5  }
0xd8: {  	[hbm4b:s18+s3] =	stream.linear.scatter [tilespmem:s8], [sflag:$0x3], $0x80, $0x38;
	[tilespmem:$0x11680] =	vst v63  }
0xd9: {  	s8 =	sadd.s32 $0x8F90, s12;
	s18 =	sadd.s32 $0x20, s5  }
0xda: {  	[hbm4b:s18+s3] =	stream.linear.scatter [tilespmem:s8], [sflag:$0x3], $0x80, $0x38;
	[tilespmem:$0x11680] =	vst v63  }
0xdb: {  	s8 =	sadd.s32 $0x9018, s12;
	s18 =	sadd.s32 $0x30, s5  }
0xdc: {  	[hbm4b:s18+s3] =	stream.linear.scatter [tilespmem:s8], [sflag:$0x3], $0x80, $0x38;
	[tilespmem:$0x11680] =	vst v63  }
0xdd: {  	s8 =	sadd.s32 $0x90A0, s12;
	s18 =	sadd.s32 $0x40, s5  }
0xde: {  	[hbm4b:s18+s3] =	stream.linear.scatter [tilespmem:s8], [sflag:$0x3], $0x80, $0x38;
	[tilespmem:$0x11680] =	vst v63  }
.Ltmp2:
0xdf: {  	s8 =	sadd.s32 $0x9128, s12;
	s18 =	sadd.s32 $0x50, s5;
	(pc) =	sbr.rel @p1 .LBB2_7-.Ltmp2, $4  }
0xe0: {  	[hbm4b:s18+s3] =	stream.linear.scatter [tilespmem:s8], [sflag:$0x3], $0x80, $0x38;
	[tilespmem:$0x11680] =	vst v63  }
0xe1: {  	s8 =	sadd.s32 $0x91B0, s12;
	s18 =	sadd.s32 $0x60, s5;
	s12 =	sadd.s32 $0x9238, s12  }
0xe2: {  	[hbm4b:s18+s3] =	stream.linear.scatter [tilespmem:s8], [sflag:$0x3], $0x80, $0x38;
	[tilespmem:$0x11680] =	vst v63  }
0xe3: {  	s18 =	sadd.s32 $0x70, s5;
	s5 =	sadd.s32 $0x4000, s5;
	s8 =	smov.u32 s19  }
0xe4: {  	[hbm4b:s18+s3] =	stream.linear.scatter [tilespmem:s12], [sflag:$0x3], $0x80, $0x38;
	[tilespmem:$0x11680] =	vst v63  }
0xe5: {  	s8 =	sadd.s32 $0x8E80, s0  }
0xe6: {  	[hbm4b:s5+s3] =	stream.linear.scatter [tilespmem:s8], [sflag:$0x3], $0x80, $0x38;
	[tilespmem:$0x11680] =	vst v63  }
0xe7: {  	s30 =	sadd.s32 $0x8F08, s0;
	s31 =	sadd.s32 $0x10, s5  }
0xe8: {  	[hbm4b:s31+s3] =	stream.linear.scatter [tilespmem:s30], [sflag:$0x3], $0x80, $0x38;
	[tilespmem:$0x11680] =	vst v63  }
0xe9: {  	s12 =	sadd.s32 $0x8F90, s0;
	s18 =	sadd.s32 $0x20, s5  }
0xea: {  	[hbm4b:s18+s3] =	stream.linear.scatter [tilespmem:s12], [sflag:$0x3], $0x80, $0x38;
	[tilespmem:$0x11680] =	vst v63  }
0xeb: {  	s19 =	sadd.s32 $0x9018, s0;
	s20 =	sadd.s32 $0x30, s5  }
0xec: {  	[hbm4b:s20+s3] =	stream.linear.scatter [tilespmem:s19], [sflag:$0x3], $0x80, $0x38;
	[tilespmem:$0x11680] =	vst v63  }
0xed: {  	s30 =	sadd.s32 $0x90A0, s0;
	s31 =	sadd.s32 $0x40, s5;
	s18 =	sadd.s32 $0x9128, s0  }
0xee: {  	[hbm4b:s31+s3] =	stream.linear.scatter [tilespmem:s30], [sflag:$0x3], $0x80, $0x38;
	[tilespmem:$0x11680] =	vst v63  }
0xef: {  	s12 =	sshll.u32 s10, $0x14;
	s19 =	sadd.s32 $0x50, s5;
	s20 =	sadd.s32 $0x91B0, s0  }
0xf0: {  	[hbm4b:s19+s3] =	stream.linear.scatter [tilespmem:s18], [sflag:$0x3], $0x80, $0x38;
	[tilespmem:$0x11680] =	vst v63  }
0xf1: {  	s30 =	sadd.s32 $0x60, s5;
	s31 =	sadd.s32 $0x9238, s0;
	s0 =	sor.u32 s7, s12  }
0xf2: {  	[hbm4b:s30+s3] =	stream.linear.scatter [tilespmem:s20], [sflag:$0x3], $0x80, $0x38;
	[tilespmem:$0x11680] =	vst v63  }
0xf3: {  	s8 =	sadd.s32 $0x70, s5;
	s0 =	sshrl.u32 s0, $0x3  }
0xf4: {  	[hbm4b:s8+s3] =	stream.linear.scatter [tilespmem:s31], [sflag:$0x3], $0x80, $0x38;
	[tilespmem:$0x11680] =	vst v63  }
0xf5: {  	s5 =	sadd.s32 s1, s0;
	s18 =	simm.s32 $0xB080  }
0xf6: {  	[hbm4b:s5+s3] =	stream.linear.scatter [tilespmem:s18], [sflag:$0x3], $0x80, $0x38;
	[tilespmem:$0x11680] =	vst v63  }
0xf7: {  	s19 =	simm.s32 $0xB108;
	s20 =	sadd.s32 $0x10, s5  }
0xf8: {  	[hbm4b:s20+s3] =	stream.linear.scatter [tilespmem:s19], [sflag:$0x3], $0x80, $0x38;
	[tilespmem:$0x11680] =	vst v63  }
0xf9: {  	s12 =	simm.s32 $0xB2A0;
	s30 =	simm.s32 $0xB190;
	s31 =	sadd.s32 $0x20, s5  }
0xfa: {  	[hbm4b:s31+s3] =	stream.linear.scatter [tilespmem:s30], [sflag:$0x3], $0x80, $0x38;
	[tilespmem:$0x11680] =	vst v63  }
0xfb: {  	s7 =	simm.s32 $0x2200;
	s10 =	sadd.s32 $0x30, s5;
	s8 =	simm.s32 $0xB218  }
0xfc: {  	[hbm4b:s10+s3] =	stream.linear.scatter [tilespmem:s8], [sflag:$0x3], $0x80, $0x38;
	[tilespmem:$0x11680] =	vst v63  }
0xfd: {  	s0 =	simm.s32 $0x440;
	s18 =	sadd.s32 $0x40, s5;
	s19 =	simm.s32 $0xB328  }
0xfe: {  	[hbm4b:s18+s3] =	stream.linear.scatter [tilespmem:s12], [sflag:$0x3], $0x80, $0x38;
	[tilespmem:$0x11680] =	vst v63  }
0xff: {  	s20 =	sadd.s32 $0x50, s5;
	s30 =	simm.s32 $0xB3B0;
	s31 =	sadd.s32 $0x60, s5  }
0x100: {  	[hbm4b:s20+s3] =	stream.linear.scatter [tilespmem:s19], [sflag:$0x3], $0x80, $0x38;
	[tilespmem:$0x11680] =	vst v63  }
0x101: {  	s8 =	simm.s32 $0xB438;
	s10 =	sadd.s32 $0x70, s5;
	s5 =	sadd.s32 $0x4000, s5  }
0x102: {  	[hbm4b:s31+s3] =	stream.linear.scatter [tilespmem:s30], [sflag:$0x3], $0x80, $0x38;
	[tilespmem:$0x11680] =	vst v63  }
.LBB2_9:
0x103: {  	[hbm4b:s10+s3] =	stream.linear.scatter [tilespmem:s8], [sflag:$0x3], $0x80, $0x38;
	[tilespmem:$0x11680] =	vst v63  }
0x104: {  	s8 =	smov.u32 s0;
	s0 =	smov.u32 s7  }
0x105: {  	s12 =	sadd.s32 $0x1100, s7;
	s0 =	sshra.s32 s0, $0x2;
	s10 =	sadd.s32 $0xB080, s8  }
0x106: {  	[hbm4b:s5+s3] =	stream.linear.scatter [tilespmem:s10], [sflag:$0x3], $0x80, $0x38;
	[tilespmem:$0x11680] =	vst v63  }
0x107: {  	p1 =	sne.s32 s7, $0x7700;
	s7 =	sadd.s32 $0xB108, s8;
	s10 =	sadd.s32 $0x10, s5  }
0x108: {  	[hbm4b:s10+s3] =	stream.linear.scatter [tilespmem:s7], [sflag:$0x3], $0x80, $0x38;
	[tilespmem:$0x11680] =	vst v63  }
0x109: {  	s7 =	sadd.s32 $0xB190, s8;
	s10 =	sadd.s32 $0x20, s5  }
0x10a: {  	[hbm4b:s10+s3] =	stream.linear.scatter [tilespmem:s7], [sflag:$0x3], $0x80, $0x38;
	[tilespmem:$0x11680] =	vst v63  }
0x10b: {  	s7 =	sadd.s32 $0xB218, s8;
	s10 =	sadd.s32 $0x30, s5  }
0x10c: {  	[hbm4b:s10+s3] =	stream.linear.scatter [tilespmem:s7], [sflag:$0x3], $0x80, $0x38;
	[tilespmem:$0x11680] =	vst v63  }
0x10d: {  	s7 =	sadd.s32 $0xB2A0, s8;
	s10 =	sadd.s32 $0x40, s5  }
0x10e: {  	[hbm4b:s10+s3] =	stream.linear.scatter [tilespmem:s7], [sflag:$0x3], $0x80, $0x38;
	[tilespmem:$0x11680] =	vst v63  }
.Ltmp3:
0x10f: {  	s7 =	sadd.s32 $0xB328, s8;
	s10 =	sadd.s32 $0x50, s5;
	(pc) =	sbr.rel @p1 .LBB2_9-.Ltmp3, $4  }
0x110: {  	[hbm4b:s10+s3] =	stream.linear.scatter [tilespmem:s7], [sflag:$0x3], $0x80, $0x38;
	[tilespmem:$0x11680] =	vst v63  }
0x111: {  	s7 =	sadd.s32 $0xB3B0, s8;
	s10 =	sadd.s32 $0x60, s5;
	s8 =	sadd.s32 $0xB438, s8  }
0x112: {  	[hbm4b:s10+s3] =	stream.linear.scatter [tilespmem:s7], [sflag:$0x3], $0x80, $0x38;
	[tilespmem:$0x11680] =	vst v63  }
0x113: {  	s10 =	sadd.s32 $0x70, s5;
	s5 =	sadd.s32 $0x4000, s5;
	s7 =	smov.u32 s12  }
0x114: {  	[hbm4b:s10+s3] =	stream.linear.scatter [tilespmem:s8], [sflag:$0x3], $0x80, $0x38;
	[tilespmem:$0x11680] =	vst v63  }
0x115: {  	s7 =	sadd.s32 $0xB080, s0  }
0x116: {  	[hbm4b:s5+s3] =	stream.linear.scatter [tilespmem:s7], [sflag:$0x3], $0x80, $0x38;
	[tilespmem:$0x11680] =	vst v63  }
0x117: {  	s18 =	sadd.s32 $0xB108, s0;
	s19 =	sadd.s32 $0x10, s5  }
0x118: {  	[hbm4b:s19+s3] =	stream.linear.scatter [tilespmem:s18], [sflag:$0x3], $0x80, $0x38;
	[tilespmem:$0x11680] =	vst v63  }
0x119: {  	s20 =	sadd.s32 $0xB190, s0;
	s31 =	sadd.s32 $0x20, s5  }
0x11a: {  	[hbm4b:s31+s3] =	stream.linear.scatter [tilespmem:s20], [sflag:$0x3], $0x80, $0x38;
	[tilespmem:$0x11680] =	vst v63  }
0x11b: {  	s10 =	sadd.s32 $0xB218, s0;
	s12 =	sadd.s32 $0x30, s5  }
0x11c: {  	[hbm4b:s12+s3] =	stream.linear.scatter [tilespmem:s10], [sflag:$0x3], $0x80, $0x38;
	[tilespmem:$0x11680] =	vst v63  }
0x11d: {  	s18 =	sadd.s32 $0xB2A0, s0;
	s19 =	sadd.s32 $0x40, s5  }
0x11e: {  	[hbm4b:s19+s3] =	stream.linear.scatter [tilespmem:s18], [sflag:$0x3], $0x80, $0x38;
	[tilespmem:$0x11680] =	vst v63  }
0x11f: {  	s20 =	sadd.s32 $0xB328, s0;
	s31 =	sadd.s32 $0x50, s5;
	s19 =	sadd.s32 $0x3, s11  }
0x120: {  	[hbm4b:s31+s3] =	stream.linear.scatter [tilespmem:s20], [sflag:$0x3], $0x80, $0x38;
	[tilespmem:$0x11680] =	vst v63  }
0x121: {  	s8 =	sadd.s32 $0xB3B0, s0;
	s10 =	sadd.s32 $0x60, s5;
	s20 =	smulhi.u32 $0x51EB851F, s19  }
0x122: {  	[hbm4b:s10+s3] =	stream.linear.scatter [tilespmem:s8], [sflag:$0x3], $0x80, $0x38;
	[tilespmem:$0x11680] =	vst v63  }
0x123: {  	s18 =	sadd.s32 $0x70, s5;
	s5 =	sshrl.u32 s20, $0x5  }
0x124: {  	s12 =	sadd.s32 $0xB438, s0;
	s5 =	smul.u32 $0x64, s5  }
0x125: {  	[hbm4b:s18+s3] =	stream.linear.scatter [tilespmem:s12], [sflag:$0x3], $0x80, $0x38;
	[tilespmem:$0x11680] =	vst v63  }
0x126: {  	_ =	swait.ge [sflag:s15], $0x100  }
0x127: {  	s0 =	ssub.s32 s19, s5;
	[sflag:s15] =	ssyncset.done $0x0  }
0x128: {  	s31 =	simm.s32 $0xE80;
	s5 =	smul.u32 $0x29, s0;
	[sflag:s15] =	ssyncadd.s32 $0xFFFFFF00  }
0x129: {  	[tilespmem:s31], [sflag:$0x1] =	stream.indirect.gather [hbm4b:s6+s13], $0x40, s3, s13, $0xb8;
	[tilespmem:$0x11680] =	vst v63  }
0x12a: {  	s5 =	sshrl.u32 s5, $0xA  }
0x12b: {  	s8 =	simm.s32 $0x2E80;
	s10 =	smul.u32 $0x19, s5  }
0x12c: {  	[tilespmem:s8], [sflag:$0x1] =	stream.indirect.gather [hbm4b:s6+s13], $0x40, s13, s13, $0xb8;
	[tilespmem:$0x11680] =	vst v63  }
0x12d: {  	_ =	swait.ge [sflag:s26], $0x2000  }
0x12e: {  	s11 =	sor.u32 $0x1, s11;
	s0 =	ssub.s32 s0, s10;
	[sflag:s26] =	ssyncset.done $0x0  }
0x12f: {  	s12 =	sand.u32 $0xFF, s11;
	s0 =	sand.u32 $0xFF, s0;
	[sflag:s26] =	ssyncadd.s32 $0xFFFFE000  }
0x130: {  	s5 =	sadd.s32 s5, s9;
	s0 =	sshll.u32 s0, $0xC;
	_ =	swait.ge [sflag:s26], $0x2000  }
0x131: {  	s5 =	sshll.u32 s5, $0x4;
	s0 =	sadd.s32 s4, s0;
	[sflag:s26] =	ssyncset.done $0x0  }
0x132: {  	s7 =	smul.u32 $0x29, s12;
	s0 =	sadd.s32 s5, s0;
	[sflag:s26] =	ssyncadd.s32 $0xFFFFE000  }
0x133: {  	[tilespmem:s16], [sflag:$0x6] =	stream.strided.gather [hbm4b:s0+s13], $0x100, s14, s13, $0x38;
	[tilespmem:$0x11680] =	vst v63  }
0x134: {  	s0 =	simm.s32 @!p0 $0x4  }
0x135: {  	s8 =	sshrl.u32 s7, $0xA;
	_ =	swait.ge @!p0 [sflag:s0], $0x2000  }
0x136: {  	s18 =	smul.u32 $0x19, s8;
	[sflag:s0] =	ssyncset.done @!p0 $0x0  }
0x137: {  	[sflag:s0] =	ssyncadd.s32 @!p0 $0xFFFFE000  }
0x138: {  	s5 =	ssub.s32 s11, s18;
	_ =	swait.ge @!p0 [sflag:s0], $0x2000  }
0x139: {  	s5 =	sand.u32 $0xFF, s5;
	[sflag:s0] =	ssyncset.done @!p0 $0x0  }
0x13a: {  	s19 =	sshll.u32 s5, $0x7;
	[sflag:s0] =	ssyncadd.s32 @!p0 $0xFFFFE000  }
0x13b: {  	s20 =	simm.s32 $0x1;
	s12 =	simm.s32 $0x4EC0;
	v9 =	vld [tilespmem:s19+$0x200]  }
0x13c: {  	v4 =	vmov s20;
	v6 =	vld [tilespmem:s12+$0x0]  }
0x13d: {  	v14 =	vand.u32 $0x7F, v4  }
0x13e: {  	v8 =	vadd.s32 v0, v14  }
0x13f: {  	s31 =	simm.s32 $0x0;
	v7 =	vld [tilespmem:s19+$0x210]  }
0x140: {  	v4 =	vmov s31;
	v10 =	vld [tilespmem:s12+$0xFFFFFFC0]  }
0x141: {  	v18 =	vand.u32 $0x7E, v4;
	v5 =	vld [tilespmem:s19+$0x220];
	v6 =	vadd.f32 v6, v9  }
0x142: {  	s7 =	simm.s32 $0x3;
	v11 =	vadd.s32 v0, v18;
	s10 =	simm.s32 $0x4F40;
	v4 =	vld [tilespmem:s19+$0x230]  }
0x143: {  	v12 =	vld [tilespmem:s10+$0x0];
	[tilespmem:v8+s28+$0x0] =	vst.idx.msk $0xffff, v6;
	v6 =	vmov s7  }
0x144: {  	v6 =	vand.u32 $0x7F, v6;
	v13 =	vld [tilespmem:s12+$0x10]  }
0x145: {  	v8 =	vadd.f32 v10, v9;
	v10 =	vadd.s32 v0, v6  }
0x146: {  	v15 =	vadd.s32 v1, v14;
	s11 =	simm.s32 $0x2  }
0x147: {  	[tilespmem:v11+s28+$0x0] =	vst.idx.msk $0xffff, v8;
	v8 =	vmov s11;
	v11 =	vld [tilespmem:s10+$0xFFFFFFC0]  }
0x148: {  	v12 =	vadd.f32 v12, v9;
	v8 =	vand.u32 $0x7E, v8;
	v16 =	vld [tilespmem:s12+$0xFFFFFFD0]  }
0x149: {  	s18 =	simm.s32 $0x5;
	s7 =	simm.s32 $0x4FC0;
	v17 =	vadd.s32 v0, v8;
	v13 =	vadd.f32 v13, v7  }
0x14a: {  	v19 =	vld [tilespmem:s7+$0x0];
	[tilespmem:v10+s28+$0x0] =	vst.idx.msk $0xffff, v12;
	v12 =	vadd.s32 v1, v18;
	v10 =	vmov s18  }
0x14b: {  	[tilespmem:v15+s28+$0x0] =	vst.idx.msk $0xffff, v13;
	v10 =	vand.u32 $0x7F, v10;
	v13 =	vld [tilespmem:s10+$0x10]  }
0x14c: {  	v11 =	vadd.f32 v11, v9;
	v15 =	vadd.s32 v0, v10;
	v20 =	vld [tilespmem:s12+$0x20]  }
0x14d: {  	s19 =	simm.s32 $0x4;
	v21 =	vadd.s32 v1, v6;
	v16 =	vadd.f32 v16, v7  }
0x14e: {  	v22 =	vadd.s32 v2, v14;
	[tilespmem:v17+s28+$0x0] =	vst.idx.msk $0xffff, v11;
	v11 =	vmov s19;
	v17 =	vld [tilespmem:s7+$0xFFFFFFC0]  }
0x14f: {  	v11 =	vand.u32 $0x7E, v11;
	[tilespmem:v12+s28+$0x0] =	vst.idx.msk $0xffff, v16;
	v12 =	vadd.f32 v19, v9;
	v16 =	vld [tilespmem:s10+$0xFFFFFFD0]  }
0x150: {  	s20 =	simm.s32 $0x7;
	s11 =	simm.s32 $0x5040;
	v19 =	vadd.s32 v0, v11;
	v13 =	vadd.f32 v13, v7;
	v23 =	vld [tilespmem:s12+$0xFFFFFFE0]  }
0x151: {  	v24 =	vld [tilespmem:s11+$0x0];
	[tilespmem:v15+s28+$0x0] =	vst.idx.msk $0xffff, v12;
	v15 =	vadd.s32 v1, v8;
	v20 =	vadd.f32 v20, v5;
	v12 =	vmov s20  }
0x152: {  	[tilespmem:v21+s28+$0x0] =	vst.idx.msk $0xffff, v13;
	v21 =	vadd.s32 v2, v18;
	v12 =	vand.u32 $0x7F, v12;
	v25 =	vld [tilespmem:s7+$0x10]  }
0x153: {  	v13 =	vadd.f32 v17, v9;
	[tilespmem:v22+s28+$0x0] =	vst.idx.msk $0xffff, v20;
	v17 =	vadd.s32 v0, v12;
	v20 =	vld [tilespmem:s10+$0x20]  }
0x154: {  	s31 =	simm.s32 $0x6;
	v26 =	vadd.s32 v1, v10;
	v16 =	vadd.f32 v16, v7;
	v27 =	vld [tilespmem:s12+$0x30]  }
0x155: {  	v28 =	vadd.s32 v2, v6;
	[tilespmem:v19+s28+$0x0] =	vst.idx.msk $0xffff, v13;
	v13 =	vmov s31;
	v19 =	vadd.f32 v23, v5;
	v23 =	vld [tilespmem:s11+$0xFFFFFFC0]  }
0x156: {  	v30 =	vadd.s32 v3, v14;
	v13 =	vand.u32 $0x7E, v13;
	v29 =	vld [tilespmem:s7+$0xFFFFFFD0];
	[tilespmem:v15+s28+$0x0] =	vst.idx.msk $0xffff, v16;
	v16 =	vadd.f32 v24, v9  }
0x157: {  	[tilespmem:v21+s28+$0x0] =	vst.idx.msk $0xffff, v19;
	v21 =	vadd.s32 v0, v13;
	v14 =	vadd.f32 v25, v7;
	v15 =	vld [tilespmem:s10+$0xFFFFFFE0]  }
0x158: {  	s0 =	simm.s32 $0x50C0;
	s18 =	simm.s32 $0x9;
	v19 =	vadd.s32 v1, v11;
	[tilespmem:v17+s28+$0x0] =	vst.idx.msk $0xffff, v16;
	v20 =	vadd.f32 v20, v5;
	v16 =	vld [tilespmem:s12+$0xFFFFFFF0]  }
0x159: {  	v22 =	vld [tilespmem:s0+$0x0];
	v24 =	vmov s18;
	v17 =	vadd.s32 v2, v8;
	[tilespmem:v26+s28+$0x0] =	vst.idx.msk $0xffff, v14;
	v27 =	vadd.f32 v27, v4  }
0x15a: {  	s30 =	simm.s32 $0x50C0;
	s8 =	sadd.s32 s8, s9;
	v18 =	vadd.s32 v3, v18;
	v14 =	vand.u32 $0x7F, v24;
	v26 =	vadd.f32 v23, v9;
	v23 =	vld [tilespmem:s11+$0x10];
	[tilespmem:v28+s28+$0x0] =	vst.idx.msk $0xffff, v20  }
0x15b: {  	s19 =	simm.s32 $0x8;
	s18 =	simm.s32 $0xA;
	s12 =	sshll.u32 s5, $0x1;
	v24 =	vadd.s32 v0, v14;
	v25 =	vadd.f32 v29, v7;
	v20 =	vld [tilespmem:s7+$0x20];
	[tilespmem:v30+s28+$0x0] =	vst.idx.msk $0xffff, v27  }
.LBB2_11:
0x15c: {  	p0 =	slt.u32 s18, $0x7E;
	[tilespmem:v21+s28+$0x0] =	vst.idx.msk $0xffff, v26;
	v26 =	vadd.s32 v1, v12;
	v15 =	vadd.f32 v15, v5;
	v27 =	vld [tilespmem:s10+$0x30];
	v28 =	vmov v11  }
0x15d: {  	v21 =	vmov s19;
	v11 =	vmovc v13;
	s19 =	smov.u32 s18;
	v29 =	vld [tilespmem:s0+$0xFFFFFFC0];
	[tilespmem:v19+s28+$0x0] =	vst.idx.msk $0xffff, v25;
	v25 =	vadd.s32 v2, v10;
	v16 =	vadd.f32 v16, v4  }
0x15e: {  	v31 =	vadd.s32 v3, v6;
	v13 =	vand.u32 $0x7E, v21;
	v19 =	vadd.f32 v22, v9;
	v30 =	vld [tilespmem:s11+$0xFFFFFFD0];
	[tilespmem:v17+s28+$0x0] =	vst.idx.msk $0xffff, v15  }
.Ltmp4:
0x15f: {  	v6 =	vmov v10;
	v21 =	vadd.s32 v0, v13;
	v17 =	vadd.f32 v23, v7;
	v15 =	vld [tilespmem:s7+$0xFFFFFFE0];
	[tilespmem:v18+s28+$0x0] =	vst.idx.msk $0xffff, v16;
	(pc) =	sbr.rel @p0 .LBB2_11-.Ltmp4, $4  }
0x160: {  	s20 =	sadd.s32 $0x1, s18;
	s0 =	sadd.s32 $0x80, s0;
	v10 =	vmov v12;
	[tilespmem:v24+s28+$0x0] =	vst.idx.msk $0xffff, v19;
	v19 =	vadd.s32 v1, v11;
	v18 =	vadd.f32 v20, v5;
	v16 =	vld [tilespmem:s10+$0xFFFFFFF0];
	s10 =	smov.u32 s7  }
0x161: {  	v12 =	vmovc v14;
	v20 =	vmov s20;
	s7 =	smov.u32 s11;
	s11 =	smov.u32 s30;
	s30 =	smov.u32 s0;
	v22 =	vld [tilespmem:s0+$0x0];
	[tilespmem:v26+s28+$0x0] =	vst.idx.msk $0xffff, v17;
	v17 =	vadd.s32 v2, v28;
	v27 =	vadd.f32 v27, v4  }
0x162: {  	v14 =	vand.u32 $0x7F, v20;
	v26 =	vadd.f32 v29, v9;
	v23 =	vld [tilespmem:s11+$0x10];
	[tilespmem:v25+s28+$0x0] =	vst.idx.msk $0xffff, v18;
	v18 =	vadd.s32 v3, v8  }
0x163: {  	s18 =	sadd.s32 $0x2, s18;
	v24 =	vadd.s32 v0, v14;
	v8 =	vmov v28;
	v25 =	vadd.f32 v30, v7;
	v20 =	vld [tilespmem:s7+$0x20];
	[tilespmem:v31+s28+$0x0] =	vst.idx.msk $0xffff, v27  }
0x164: {  	v27 =	vmov s19;
	v28 =	vld [tilespmem:s0+$0xFFFFFFC0]  }
0x165: {  	v27 =	vand.u32 $0x7E, v27  }
0x166: {  	v29 =	vadd.s32 v0, v27;
	_ =	sdelay $0x1  }
0x167: {  	v22 =	vadd.f32 v22, v9  }
0x168: {  	[tilespmem:v21+s28+$0x0] =	vst.idx.msk $0xffff, v26;
	v9 =	vadd.f32 v28, v9  }
0x169: {  	v21 =	vld [tilespmem:s11+$0xFFFFFFD0];
	[tilespmem:v24+s28+$0x0] =	vst.idx.msk $0xffff, v22  }
0x16a: {  	v22 =	vadd.s32 v1, v12;
	v24 =	vld [tilespmem:s30+$0x10];
	[tilespmem:v29+s28+$0x0] =	vst.idx.msk $0xffff, v9  }
0x16b: {  	v9 =	vadd.s32 v1, v13;
	v26 =	vld [tilespmem:s30+$0xFFFFFFD0]  }
0x16c: {  	v61 =	vadd.s32 v1, v14  }
0x16d: {  	v62 =	vadd.s32 v1, v27;
	v23 =	vadd.f32 v23, v7  }
0x16e: {  	[tilespmem:v19+s28+$0x0] =	vst.idx.msk $0xffff, v25;
	v19 =	vadd.f32 v21, v7  }
0x16f: {  	v21 =	vld [tilespmem:s7+$0xFFFFFFE0];
	[tilespmem:v22+s28+$0x0] =	vst.idx.msk $0xffff, v23;
	v22 =	vadd.f32 v24, v7  }
0x170: {  	v23 =	vadd.s32 v2, v10;
	v24 =	vld [tilespmem:s11+$0x20];
	[tilespmem:v9+s28+$0x0] =	vst.idx.msk $0xffff, v19;
	v7 =	vadd.f32 v26, v7  }
0x171: {  	v9 =	vadd.f32 v15, v5;
	v15 =	vadd.s32 v2, v11;
	[tilespmem:v61+s28+$0x0] =	vst.idx.msk $0xffff, v22;
	v19 =	vld [tilespmem:s11+$0xFFFFFFE0]  }
0x172: {  	v16 =	vadd.f32 v16, v4;
	v22 =	vadd.s32 v2, v12;
	v25 =	vld [tilespmem:s30+$0x20];
	[tilespmem:v62+s28+$0x0] =	vst.idx.msk $0xffff, v7  }
0x173: {  	[tilespmem:v17+s28+$0x0] =	vst.idx.msk $0xffff, v9;
	v9 =	vadd.s32 v2, v13;
	v7 =	vadd.f32 v20, v5;
	v17 =	vld [tilespmem:s30+$0xFFFFFFE0]  }
0x174: {  	[tilespmem:v18+s28+$0x0] =	vst.idx.msk $0xffff, v16;
	v18 =	vadd.s32 v2, v14;
	v16 =	vadd.f32 v21, v5;
	v20 =	vld [tilespmem:s10+$0x30]  }
0x175: {  	v21 =	vld [tilespmem:s10+$0xFFFFFFF0];
	[tilespmem:v23+s28+$0x0] =	vst.idx.msk $0xffff, v7;
	v7 =	vadd.f32 v24, v5;
	v23 =	vadd.s32 v2, v27  }
0x176: {  	v6 =	vadd.s32 v3, v6;
	[tilespmem:v15+s28+$0x0] =	vst.idx.msk $0xffff, v16;
	v24 =	vld [tilespmem:s7+$0x30];
	v15 =	vadd.f32 v19, v5  }
0x177: {  	v8 =	vadd.s32 v3, v8;
	v16 =	vld [tilespmem:s7+$0xFFFFFFF0];
	[tilespmem:v22+s28+$0x0] =	vst.idx.msk $0xffff, v7;
	v7 =	vadd.f32 v25, v5  }
0x178: {  	v10 =	vadd.s32 v3, v10;
	v19 =	vld [tilespmem:s11+$0x30];
	[tilespmem:v9+s28+$0x0] =	vst.idx.msk $0xffff, v15;
	v5 =	vadd.f32 v17, v5  }
0x179: {  	v11 =	vadd.s32 v3, v11;
	v9 =	vadd.f32 v20, v4;
	v15 =	vld [tilespmem:s11+$0xFFFFFFF0];
	[tilespmem:v18+s28+$0x0] =	vst.idx.msk $0xffff, v7  }
0x17a: {  	v12 =	vadd.s32 v3, v12;
	v7 =	vadd.f32 v21, v4;
	v17 =	vld [tilespmem:s30+$0x30];
	[tilespmem:v23+s28+$0x0] =	vst.idx.msk $0xffff, v5  }
0x17b: {  	[tilespmem:v6+s28+$0x0] =	vst.idx.msk $0xffff, v9;
	v6 =	vadd.s32 v3, v13;
	v5 =	vadd.f32 v24, v4;
	v9 =	vld [tilespmem:s30+$0xFFFFFFF0]  }
0x17c: {  	[tilespmem:v8+s28+$0x0] =	vst.idx.msk $0xffff, v7;
	v7 =	vadd.f32 v16, v4;
	v8 =	vadd.s32 v3, v14  }
0x17d: {  	[tilespmem:v10+s28+$0x0] =	vst.idx.msk $0xffff, v5;
	v5 =	vadd.f32 v19, v4;
	v10 =	vadd.s32 v3, v27  }
0x17e: {  	[tilespmem:v11+s28+$0x0] =	vst.idx.msk $0xffff, v7;
	v7 =	vadd.f32 v15, v4  }
0x17f: {  	[tilespmem:v12+s28+$0x0] =	vst.idx.msk $0xffff, v5;
	v5 =	vadd.f32 v17, v4  }
0x180: {  	[tilespmem:v6+s28+$0x0] =	vst.idx.msk $0xffff, v7;
	v4 =	vadd.f32 v9, v4  }
0x181: {  	s10 =	sor.u32 $0x1, s12;
	[tilespmem:v8+s28+$0x0] =	vst.idx.msk $0xffff, v5  }
0x182: {  	s19 =	sshll.u32 s10, $0x6;
	[tilespmem:v10+s28+$0x0] =	vst.idx.msk $0xffff, v4  }
0x183: {  	s20 =	simm.s32 $0x1;
	s30 =	simm.s32 $0x6EC0;
	v9 =	vld [tilespmem:s19+$0x200]  }
0x184: {  	v4 =	vmov s20;
	v6 =	vld [tilespmem:s30+$0x0]  }
0x185: {  	v14 =	vand.u32 $0x7F, v4  }
0x186: {  	v8 =	vadd.s32 v0, v14  }
0x187: {  	s31 =	simm.s32 $0x0;
	v7 =	vld [tilespmem:s19+$0x210]  }
0x188: {  	v4 =	vmov s31;
	v10 =	vld [tilespmem:s30+$0xFFFFFFC0]  }
0x189: {  	s7 =	simm.s32 $0x6F40;
	v5 =	vld [tilespmem:s19+$0x220];
	v18 =	vand.u32 $0x7E, v4;
	v6 =	vadd.f32 v6, v9  }
0x18a: {  	s11 =	simm.s32 $0x3;
	v12 =	vld [tilespmem:s7+$0x0];
	v11 =	vadd.s32 v0, v18  }
0x18b: {  	v4 =	vld [tilespmem:s19+$0x230];
	[tilespmem:v8+s29+$0x0] =	vst.idx.msk $0xffff, v6;
	v6 =	vmov s11  }
0x18c: {  	v6 =	vand.u32 $0x7F, v6;
	v13 =	vld [tilespmem:s30+$0x10]  }
0x18d: {  	v8 =	vadd.f32 v10, v9;
	v10 =	vadd.s32 v0, v6  }
0x18e: {  	s12 =	simm.s32 $0x2;
	v15 =	vadd.s32 v1, v14  }
0x18f: {  	[tilespmem:v11+s29+$0x0] =	vst.idx.msk $0xffff, v8;
	v8 =	vmov s12;
	v11 =	vld [tilespmem:s7+$0xFFFFFFC0]  }
0x190: {  	v12 =	vadd.f32 v12, v9;
	v8 =	vand.u32 $0x7E, v8;
	v16 =	vld [tilespmem:s30+$0xFFFFFFD0]  }
0x191: {  	s18 =	simm.s32 $0x5;
	s11 =	simm.s32 $0x6FC0;
	v17 =	vadd.s32 v0, v8;
	v13 =	vadd.f32 v13, v7  }
0x192: {  	v19 =	vld [tilespmem:s11+$0x0];
	[tilespmem:v10+s29+$0x0] =	vst.idx.msk $0xffff, v12;
	v12 =	vadd.s32 v1, v18;
	v10 =	vmov s18  }
0x193: {  	[tilespmem:v15+s29+$0x0] =	vst.idx.msk $0xffff, v13;
	v10 =	vand.u32 $0x7F, v10;
	v13 =	vld [tilespmem:s7+$0x10]  }
0x194: {  	v11 =	vadd.f32 v11, v9;
	v15 =	vadd.s32 v0, v10;
	v20 =	vld [tilespmem:s30+$0x20]  }
0x195: {  	s19 =	simm.s32 $0x4;
	v21 =	vadd.s32 v1, v6;
	v16 =	vadd.f32 v16, v7  }
0x196: {  	v22 =	vadd.s32 v2, v14;
	[tilespmem:v17+s29+$0x0] =	vst.idx.msk $0xffff, v11;
	v11 =	vmov s19;
	v17 =	vld [tilespmem:s11+$0xFFFFFFC0]  }
0x197: {  	v11 =	vand.u32 $0x7E, v11;
	[tilespmem:v12+s29+$0x0] =	vst.idx.msk $0xffff, v16;
	v12 =	vadd.f32 v19, v9;
	v16 =	vld [tilespmem:s7+$0xFFFFFFD0]  }
0x198: {  	s20 =	simm.s32 $0x7;
	s12 =	simm.s32 $0x7040;
	v19 =	vadd.s32 v0, v11;
	v13 =	vadd.f32 v13, v7;
	v23 =	vld [tilespmem:s30+$0xFFFFFFE0]  }
0x199: {  	v24 =	vld [tilespmem:s12+$0x0];
	[tilespmem:v15+s29+$0x0] =	vst.idx.msk $0xffff, v12;
	v15 =	vadd.s32 v1, v8;
	v20 =	vadd.f32 v20, v5;
	v12 =	vmov s20  }
0x19a: {  	[tilespmem:v21+s29+$0x0] =	vst.idx.msk $0xffff, v13;
	v21 =	vadd.s32 v2, v18;
	v12 =	vand.u32 $0x7F, v12;
	v25 =	vld [tilespmem:s11+$0x10]  }
0x19b: {  	v13 =	vadd.f32 v17, v9;
	[tilespmem:v22+s29+$0x0] =	vst.idx.msk $0xffff, v20;
	v17 =	vadd.s32 v0, v12;
	v20 =	vld [tilespmem:s7+$0x20]  }
0x19c: {  	s31 =	simm.s32 $0x6;
	v26 =	vadd.s32 v1, v10;
	v16 =	vadd.f32 v16, v7;
	v27 =	vld [tilespmem:s30+$0x30]  }
0x19d: {  	v63 =	vadd.s32 v2, v6;
	[tilespmem:v19+s29+$0x0] =	vst.idx.msk $0xffff, v13;
	v13 =	vmov s31;
	v19 =	vadd.f32 v23, v5;
	v23 =	vld [tilespmem:s12+$0xFFFFFFC0]  }
0x19e: {  	v30 =	vadd.s32 v3, v14;
	v13 =	vand.u32 $0x7E, v13;
	v29 =	vld [tilespmem:s11+$0xFFFFFFD0];
	[tilespmem:v15+s29+$0x0] =	vst.idx.msk $0xffff, v16;
	v16 =	vadd.f32 v24, v9  }
0x19f: {  	[tilespmem:v21+s29+$0x0] =	vst.idx.msk $0xffff, v19;
	v21 =	vadd.s32 v0, v13;
	v14 =	vadd.f32 v25, v7;
	v15 =	vld [tilespmem:s7+$0xFFFFFFE0]  }
0x1a0: {  	s0 =	simm.s32 $0x70C0;
	s18 =	simm.s32 $0x9;
	v19 =	vadd.s32 v1, v11;
	[tilespmem:v17+s29+$0x0] =	vst.idx.msk $0xffff, v16;
	v20 =	vadd.f32 v20, v5;
	v16 =	vld [tilespmem:s30+$0xFFFFFFF0]  }
0x1a1: {  	v22 =	vld [tilespmem:s0+$0x0];
	v24 =	vmov s18;
	v17 =	vadd.s32 v2, v8;
	[tilespmem:v26+s29+$0x0] =	vst.idx.msk $0xffff, v14;
	v27 =	vadd.f32 v27, v4  }
0x1a2: {  	v18 =	vadd.s32 v3, v18;
	v14 =	vand.u32 $0x7F, v24;
	v26 =	vadd.f32 v23, v9;
	v23 =	vld [tilespmem:s12+$0x10];
	[tilespmem:v63+s29+$0x0] =	vst.idx.msk $0xffff, v20  }
0x1a3: {  	s19 =	simm.s32 $0x8;
	s18 =	simm.s32 $0xA;
	s30 =	simm.s32 $0x70C0;
	v24 =	vadd.s32 v0, v14;
	v25 =	vadd.f32 v29, v7;
	v20 =	vld [tilespmem:s11+$0x20];
	[tilespmem:v30+s29+$0x0] =	vst.idx.msk $0xffff, v27  }
.LBB2_13:
0x1a4: {  	p0 =	slt.u32 s18, $0x7E;
	[tilespmem:v21+s29+$0x0] =	vst.idx.msk $0xffff, v26;
	v26 =	vadd.s32 v1, v12;
	v15 =	vadd.f32 v15, v5;
	v27 =	vld [tilespmem:s7+$0x30];
	v28 =	vmov v11  }
0x1a5: {  	v21 =	vmov s19;
	v11 =	vmovc v13;
	s19 =	smov.u32 s18;
	v29 =	vld [tilespmem:s0+$0xFFFFFFC0];
	[tilespmem:v19+s29+$0x0] =	vst.idx.msk $0xffff, v25;
	v25 =	vadd.s32 v2, v10;
	v16 =	vadd.f32 v16, v4  }
0x1a6: {  	v31 =	vadd.s32 v3, v6;
	v13 =	vand.u32 $0x7E, v21;
	v19 =	vadd.f32 v22, v9;
	v30 =	vld [tilespmem:s12+$0xFFFFFFD0];
	[tilespmem:v17+s29+$0x0] =	vst.idx.msk $0xffff, v15  }
.Ltmp5:
0x1a7: {  	v6 =	vmov v10;
	v21 =	vadd.s32 v0, v13;
	v17 =	vadd.f32 v23, v7;
	v15 =	vld [tilespmem:s11+$0xFFFFFFE0];
	[tilespmem:v18+s29+$0x0] =	vst.idx.msk $0xffff, v16;
	(pc) =	sbr.rel @p0 .LBB2_13-.Ltmp5, $4  }
0x1a8: {  	s20 =	sadd.s32 $0x1, s18;
	s0 =	sadd.s32 $0x80, s0;
	v10 =	vmov v12;
	[tilespmem:v24+s29+$0x0] =	vst.idx.msk $0xffff, v19;
	v19 =	vadd.s32 v1, v11;
	v18 =	vadd.f32 v20, v5;
	v16 =	vld [tilespmem:s7+$0xFFFFFFF0];
	s7 =	smov.u32 s11  }
0x1a9: {  	v12 =	vmovc v14;
	v20 =	vmov s20;
	s11 =	smov.u32 s12;
	s12 =	smov.u32 s30;
	s30 =	smov.u32 s0;
	v22 =	vld [tilespmem:s0+$0x0];
	[tilespmem:v26+s29+$0x0] =	vst.idx.msk $0xffff, v17;
	v17 =	vadd.s32 v2, v28;
	v27 =	vadd.f32 v27, v4  }
0x1aa: {  	v14 =	vand.u32 $0x7F, v20;
	v26 =	vadd.f32 v29, v9;
	v23 =	vld [tilespmem:s12+$0x10];
	[tilespmem:v25+s29+$0x0] =	vst.idx.msk $0xffff, v18;
	v18 =	vadd.s32 v3, v8  }
0x1ab: {  	s18 =	sadd.s32 $0x2, s18;
	v24 =	vadd.s32 v0, v14;
	v8 =	vmov v28;
	v25 =	vadd.f32 v30, v7;
	v20 =	vld [tilespmem:s11+$0x20];
	[tilespmem:v31+s29+$0x0] =	vst.idx.msk $0xffff, v27  }
0x1ac: {  	v27 =	vmov s19;
	v28 =	vld [tilespmem:s0+$0xFFFFFFC0]  }
0x1ad: {  	v27 =	vand.u32 $0x7E, v27  }
0x1ae: {  	v29 =	vadd.s32 v0, v27;
	_ =	sdelay $0x1  }
0x1af: {  	v22 =	vadd.f32 v22, v9  }
0x1b0: {  	[tilespmem:v21+s29+$0x0] =	vst.idx.msk $0xffff, v26;
	v57 =	vadd.f32 v28, v9  }
0x1b1: {  	v21 =	vld [tilespmem:s12+$0xFFFFFFD0];
	[tilespmem:v24+s29+$0x0] =	vst.idx.msk $0xffff, v22  }
0x1b2: {  	v58 =	vadd.s32 v1, v12;
	v24 =	vld [tilespmem:s30+$0x10];
	[tilespmem:v29+s29+$0x0] =	vst.idx.msk $0xffff, v57  }
0x1b3: {  	v59 =	vadd.s32 v1, v13;
	v60 =	vld [tilespmem:s30+$0xFFFFFFD0]  }
0x1b4: {  	v61 =	vadd.s32 v1, v14  }
0x1b5: {  	v62 =	vadd.s32 v1, v27;
	v23 =	vadd.f32 v23, v7  }
0x1b6: {  	[tilespmem:v19+s29+$0x0] =	vst.idx.msk $0xffff, v25;
	v63 =	vadd.f32 v21, v7  }
0x1b7: {  	v30 =	vld [tilespmem:s11+$0xFFFFFFE0];
	[tilespmem:v58+s29+$0x0] =	vst.idx.msk $0xffff, v23;
	v31 =	vadd.f32 v24, v7  }
0x1b8: {  	v32 =	vadd.s32 v2, v10;
	v33 =	vld [tilespmem:s12+$0x20];
	[tilespmem:v59+s29+$0x0] =	vst.idx.msk $0xffff, v63;
	v34 =	vadd.f32 v60, v7  }
0x1b9: {  	v35 =	vadd.f32 v15, v5;
	v36 =	vadd.s32 v2, v11;
	v19 =	vld [tilespmem:s12+$0xFFFFFFE0];
	[tilespmem:v61+s29+$0x0] =	vst.idx.msk $0xffff, v31  }
0x1ba: {  	v37 =	vadd.s32 v2, v12;
	v16 =	vadd.f32 v16, v4;
	v38 =	vld [tilespmem:s30+$0x20];
	[tilespmem:v62+s29+$0x0] =	vst.idx.msk $0xffff, v34  }
0x1bb: {  	v40 =	vadd.s32 v2, v13;
	[tilespmem:v17+s29+$0x0] =	vst.idx.msk $0xffff, v35;
	v39 =	vadd.f32 v20, v5;
	v41 =	vld [tilespmem:s30+$0xFFFFFFE0]  }
0x1bc: {  	v42 =	vld [tilespmem:s7+$0x30];
	v44 =	vadd.s32 v2, v14;
	[tilespmem:v18+s29+$0x0] =	vst.idx.msk $0xffff, v16;
	v43 =	vadd.f32 v30, v5  }
0x1bd: {  	v47 =	vadd.s32 v2, v27;
	v45 =	vld [tilespmem:s7+$0xFFFFFFF0];
	[tilespmem:v32+s29+$0x0] =	vst.idx.msk $0xffff, v39;
	v46 =	vadd.f32 v33, v5  }
0x1be: {  	v6 =	vadd.s32 v3, v6;
	v48 =	vld [tilespmem:s11+$0x30];
	[tilespmem:v36+s29+$0x0] =	vst.idx.msk $0xffff, v43;
	v49 =	vadd.f32 v19, v5  }
0x1bf: {  	v8 =	vadd.s32 v3, v8;
	v16 =	vld [tilespmem:s11+$0xFFFFFFF0];
	[tilespmem:v37+s29+$0x0] =	vst.idx.msk $0xffff, v46;
	v50 =	vadd.f32 v38, v5  }
0x1c0: {  	v51 =	vadd.s32 v3, v10;
	v52 =	vld [tilespmem:s12+$0x30];
	[tilespmem:v40+s29+$0x0] =	vst.idx.msk $0xffff, v49;
	v5 =	vadd.f32 v41, v5  }
0x1c1: {  	v54 =	vadd.s32 v3, v11;
	v53 =	vadd.f32 v42, v4;
	v15 =	vld [tilespmem:s12+$0xFFFFFFF0];
	[tilespmem:v44+s29+$0x0] =	vst.idx.msk $0xffff, v50  }
0x1c2: {  	v56 =	vadd.s32 v3, v12;
	v55 =	vadd.f32 v45, v4;
	v57 =	vld [tilespmem:s30+$0x30];
	[tilespmem:v47+s29+$0x0] =	vst.idx.msk $0xffff, v5  }
0x1c3: {  	v58 =	vadd.s32 v3, v13;
	[tilespmem:v6+s29+$0x0] =	vst.idx.msk $0xffff, v53;
	v5 =	vadd.f32 v48, v4;
	v59 =	vld [tilespmem:s30+$0xFFFFFFF0]  }
0x1c4: {  	[tilespmem:v8+s29+$0x0] =	vst.idx.msk $0xffff, v55;
	v61 =	vadd.s32 v3, v14;
	v60 =	vadd.f32 v16, v4  }
0x1c5: {  	v62 =	vadd.s32 v3, v27;
	[tilespmem:v51+s29+$0x0] =	vst.idx.msk $0xffff, v5;
	v5 =	vadd.f32 v52, v4  }
0x1c6: {  	[tilespmem:v54+s29+$0x0] =	vst.idx.msk $0xffff, v60;
	v63 =	vadd.f32 v15, v4  }
0x1c7: {  	s7 =	sshll.u32 s8, $0xA;
	s12 =	sshll.u32 s5, $0x15;
	[tilespmem:v56+s29+$0x0] =	vst.idx.msk $0xffff, v5;
	v5 =	vadd.f32 v57, v4  }
0x1c8: {  	s0 =	sor.u32 s12, s7;
	[tilespmem:v58+s29+$0x0] =	vst.idx.msk $0xffff, v63;
	v4 =	vadd.f32 v59, v4  }
0x1c9: {  	s0 =	sshrl.u32 s0, $0x3;
	[tilespmem:v61+s29+$0x0] =	vst.idx.msk $0xffff, v5  }
0x1ca: {  	s18 =	simm.s32 $0xD280;
	s5 =	sadd.s32 s1, s0;
	[tilespmem:v62+s29+$0x0] =	vst.idx.msk $0xffff, v4  }
0x1cb: {  	[hbm4b:s5+s3] =	stream.linear.scatter [tilespmem:s18], [sflag:$0x4], $0x80, $0x38;
	[tilespmem:$0x11680] =	vst v63  }
0x1cc: {  	s19 =	simm.s32 $0xD308;
	s20 =	sadd.s32 $0x10, s5  }
0x1cd: {  	[hbm4b:s20+s3] =	stream.linear.scatter [tilespmem:s19], [sflag:$0x4], $0x80, $0x38;
	[tilespmem:$0x11680] =	vst v63  }
0x1ce: {  	s8 =	simm.s32 $0xD418;
	s31 =	sadd.s32 $0x20, s5;
	s30 =	simm.s32 $0xD390  }
0x1cf: {  	[hbm4b:s31+s3] =	stream.linear.scatter [tilespmem:s30], [sflag:$0x4], $0x80, $0x38;
	[tilespmem:$0x11680] =	vst v63  }
0x1d0: {  	s12 =	simm.s32 $0xD4A0;
	s0 =	simm.s32 $0x440;
	s11 =	sadd.s32 $0x30, s5  }
0x1d1: {  	[hbm4b:s11+s3] =	stream.linear.scatter [tilespmem:s8], [sflag:$0x4], $0x80, $0x38;
	[tilespmem:$0x11680] =	vst v63  }
0x1d2: {  	s18 =	sadd.s32 $0x40, s5;
	s19 =	simm.s32 $0xD528;
	s20 =	sadd.s32 $0x50, s5  }
0x1d3: {  	[hbm4b:s18+s3] =	stream.linear.scatter [tilespmem:s12], [sflag:$0x4], $0x80, $0x38;
	[tilespmem:$0x11680] =	vst v63  }
0x1d4: {  	s30 =	simm.s32 $0xD5B0;
	s31 =	sadd.s32 $0x60, s5;
	s8 =	simm.s32 $0x2200  }
0x1d5: {  	[hbm4b:s20+s3] =	stream.linear.scatter [tilespmem:s19], [sflag:$0x4], $0x80, $0x38;
	[tilespmem:$0x11680] =	vst v63  }
0x1d6: {  	s11 =	simm.s32 $0xD638;
	s12 =	sadd.s32 $0x70, s5;
	s5 =	sadd.s32 $0x4000, s5  }
0x1d7: {  	[hbm4b:s31+s3] =	stream.linear.scatter [tilespmem:s30], [sflag:$0x4], $0x80, $0x38;
	[tilespmem:$0x11680] =	vst v63  }
.LBB2_15:
0x1d8: {  	[hbm4b:s12+s3] =	stream.linear.scatter [tilespmem:s11], [sflag:$0x4], $0x80, $0x38;
	[tilespmem:$0x11680] =	vst v63  }
0x1d9: {  	s11 =	smov.u32 s0;
	s0 =	smov.u32 s8  }
0x1da: {  	s18 =	sadd.s32 $0x1100, s8;
	s0 =	sshra.s32 s0, $0x2;
	s12 =	sadd.s32 $0xD280, s11  }
0x1db: {  	[hbm4b:s5+s3] =	stream.linear.scatter [tilespmem:s12], [sflag:$0x4], $0x80, $0x38;
	[tilespmem:$0x11680] =	vst v63  }
0x1dc: {  	p0 =	sne.s32 s8, $0x7700;
	s8 =	sadd.s32 $0xD308, s11;
	s12 =	sadd.s32 $0x10, s5  }
0x1dd: {  	[hbm4b:s12+s3] =	stream.linear.scatter [tilespmem:s8], [sflag:$0x4], $0x80, $0x38;
	[tilespmem:$0x11680] =	vst v63  }
0x1de: {  	s8 =	sadd.s32 $0xD390, s11;
	s12 =	sadd.s32 $0x20, s5  }
0x1df: {  	[hbm4b:s12+s3] =	stream.linear.scatter [tilespmem:s8], [sflag:$0x4], $0x80, $0x38;
	[tilespmem:$0x11680] =	vst v63  }
0x1e0: {  	s8 =	sadd.s32 $0xD418, s11;
	s12 =	sadd.s32 $0x30, s5  }
0x1e1: {  	[hbm4b:s12+s3] =	stream.linear.scatter [tilespmem:s8], [sflag:$0x4], $0x80, $0x38;
	[tilespmem:$0x11680] =	vst v63  }
0x1e2: {  	s8 =	sadd.s32 $0xD4A0, s11;
	s12 =	sadd.s32 $0x40, s5  }
0x1e3: {  	[hbm4b:s12+s3] =	stream.linear.scatter [tilespmem:s8], [sflag:$0x4], $0x80, $0x38;
	[tilespmem:$0x11680] =	vst v63  }
.Ltmp6:
0x1e4: {  	s8 =	sadd.s32 $0xD528, s11;
	s12 =	sadd.s32 $0x50, s5;
	(pc) =	sbr.rel @p0 .LBB2_15-.Ltmp6, $4  }
0x1e5: {  	[hbm4b:s12+s3] =	stream.linear.scatter [tilespmem:s8], [sflag:$0x4], $0x80, $0x38;
	[tilespmem:$0x11680] =	vst v63  }
0x1e6: {  	s8 =	sadd.s32 $0xD5B0, s11;
	s12 =	sadd.s32 $0x60, s5;
	s11 =	sadd.s32 $0xD638, s11  }
0x1e7: {  	[hbm4b:s12+s3] =	stream.linear.scatter [tilespmem:s8], [sflag:$0x4], $0x80, $0x38;
	[tilespmem:$0x11680] =	vst v63  }
0x1e8: {  	s12 =	sadd.s32 $0x70, s5;
	s5 =	sadd.s32 $0x4000, s5;
	s8 =	smov.u32 s18  }
0x1e9: {  	[hbm4b:s12+s3] =	stream.linear.scatter [tilespmem:s11], [sflag:$0x4], $0x80, $0x38;
	[tilespmem:$0x11680] =	vst v63  }
0x1ea: {  	s8 =	sadd.s32 $0xD280, s0  }
0x1eb: {  	[hbm4b:s5+s3] =	stream.linear.scatter [tilespmem:s8], [sflag:$0x4], $0x80, $0x38;
	[tilespmem:$0x11680] =	vst v63  }
0x1ec: {  	s12 =	sadd.s32 $0xD308, s0;
	s18 =	sadd.s32 $0x10, s5  }
0x1ed: {  	[hbm4b:s18+s3] =	stream.linear.scatter [tilespmem:s12], [sflag:$0x4], $0x80, $0x38;
	[tilespmem:$0x11680] =	vst v63  }
0x1ee: {  	s19 =	sadd.s32 $0xD390, s0;
	s20 =	sadd.s32 $0x20, s5  }
0x1ef: {  	[hbm4b:s20+s3] =	stream.linear.scatter [tilespmem:s19], [sflag:$0x4], $0x80, $0x38;
	[tilespmem:$0x11680] =	vst v63  }
0x1f0: {  	s30 =	sadd.s32 $0xD418, s0;
	s31 =	sadd.s32 $0x30, s5  }
0x1f1: {  	[hbm4b:s31+s3] =	stream.linear.scatter [tilespmem:s30], [sflag:$0x4], $0x80, $0x38;
	[tilespmem:$0x11680] =	vst v63  }
0x1f2: {  	s12 =	sadd.s32 $0xD4A0, s0;
	s18 =	sadd.s32 $0x40, s5  }
0x1f3: {  	[hbm4b:s18+s3] =	stream.linear.scatter [tilespmem:s12], [sflag:$0x4], $0x80, $0x38;
	[tilespmem:$0x11680] =	vst v63  }
0x1f4: {  	s19 =	sadd.s32 $0xD528, s0;
	s20 =	sadd.s32 $0x50, s5  }
0x1f5: {  	[hbm4b:s20+s3] =	stream.linear.scatter [tilespmem:s19], [sflag:$0x4], $0x80, $0x38;
	[tilespmem:$0x11680] =	vst v63  }
0x1f6: {  	s30 =	sadd.s32 $0xD5B0, s0;
	s19 =	sshll.u32 s10, $0x14  }
0x1f7: {  	s31 =	sadd.s32 $0x60, s5;
	s12 =	sadd.s32 $0xD638, s0;
	s0 =	sor.u32 s7, s19  }
0x1f8: {  	[hbm4b:s31+s3] =	stream.linear.scatter [tilespmem:s30], [sflag:$0x4], $0x80, $0x38;
	[tilespmem:$0x11680] =	vst v63  }
0x1f9: {  	s18 =	sadd.s32 $0x70, s5;
	s0 =	sshrl.u32 s0, $0x3  }
0x1fa: {  	[hbm4b:s18+s3] =	stream.linear.scatter [tilespmem:s12], [sflag:$0x4], $0x80, $0x38;
	[tilespmem:$0x11680] =	vst v63  }
0x1fb: {  	s20 =	simm.s32 $0xF480;
	s5 =	sadd.s32 s1, s0  }
0x1fc: {  	[hbm4b:s5+s3] =	stream.linear.scatter [tilespmem:s20], [sflag:$0x4], $0x80, $0x38;
	[tilespmem:$0x11680] =	vst v63  }
0x1fd: {  	s30 =	simm.s32 $0xF508;
	s31 =	sadd.s32 $0x10, s5  }
0x1fe: {  	[hbm4b:s31+s3] =	stream.linear.scatter [tilespmem:s30], [sflag:$0x4], $0x80, $0x38;
	[tilespmem:$0x11680] =	vst v63  }
0x1ff: {  	s10 =	simm.s32 $0xF618;
	s7 =	simm.s32 $0xF590;
	s8 =	sadd.s32 $0x20, s5  }
0x200: {  	[hbm4b:s8+s3] =	stream.linear.scatter [tilespmem:s7], [sflag:$0x4], $0x80, $0x38;
	[tilespmem:$0x11680] =	vst v63  }
0x201: {  	s19 =	simm.s32 $0xF728;
	s0 =	simm.s32 $0x440;
	s11 =	sadd.s32 $0x30, s5  }
0x202: {  	[hbm4b:s11+s3] =	stream.linear.scatter [tilespmem:s10], [sflag:$0x4], $0x80, $0x38;
	[tilespmem:$0x11680] =	vst v63  }
0x203: {  	s12 =	simm.s32 $0xF6A0;
	s18 =	sadd.s32 $0x40, s5;
	s20 =	sadd.s32 $0x50, s5  }
0x204: {  	[hbm4b:s18+s3] =	stream.linear.scatter [tilespmem:s12], [sflag:$0x4], $0x80, $0x38;
	[tilespmem:$0x11680] =	vst v63  }
0x205: {  	s30 =	simm.s32 $0xF7B0;
	s31 =	sadd.s32 $0x60, s5;
	s7 =	simm.s32 $0x2200  }
0x206: {  	[hbm4b:s20+s3] =	stream.linear.scatter [tilespmem:s19], [sflag:$0x4], $0x80, $0x38;
	[tilespmem:$0x11680] =	vst v63  }
0x207: {  	s8 =	simm.s32 $0xF838;
	s10 =	sadd.s32 $0x70, s5;
	s5 =	sadd.s32 $0x4000, s5  }
0x208: {  	[hbm4b:s31+s3] =	stream.linear.scatter [tilespmem:s30], [sflag:$0x4], $0x80, $0x38;
	[tilespmem:$0x11680] =	vst v63  }
.LBB2_17:
0x209: {  	[hbm4b:s10+s3] =	stream.linear.scatter [tilespmem:s8], [sflag:$0x4], $0x80, $0x38;
	[tilespmem:$0x11680] =	vst v63  }
0x20a: {  	s8 =	smov.u32 s0;
	s0 =	smov.u32 s7  }
0x20b: {  	s11 =	sadd.s32 $0x1100, s7;
	s0 =	sshra.s32 s0, $0x2;
	s10 =	sadd.s32 $0xF480, s8  }
0x20c: {  	[hbm4b:s5+s3] =	stream.linear.scatter [tilespmem:s10], [sflag:$0x4], $0x80, $0x38;
	[tilespmem:$0x11680] =	vst v63  }
0x20d: {  	p0 =	sne.s32 s7, $0x7700;
	s7 =	sadd.s32 $0xF508, s8;
	s10 =	sadd.s32 $0x10, s5  }
0x20e: {  	[hbm4b:s10+s3] =	stream.linear.scatter [tilespmem:s7], [sflag:$0x4], $0x80, $0x38;
	[tilespmem:$0x11680] =	vst v63  }
0x20f: {  	s7 =	sadd.s32 $0xF590, s8;
	s10 =	sadd.s32 $0x20, s5  }
0x210: {  	[hbm4b:s10+s3] =	stream.linear.scatter [tilespmem:s7], [sflag:$0x4], $0x80, $0x38;
	[tilespmem:$0x11680] =	vst v63  }
0x211: {  	s7 =	sadd.s32 $0xF618, s8;
	s10 =	sadd.s32 $0x30, s5  }
0x212: {  	[hbm4b:s10+s3] =	stream.linear.scatter [tilespmem:s7], [sflag:$0x4], $0x80, $0x38;
	[tilespmem:$0x11680] =	vst v63  }
0x213: {  	s7 =	sadd.s32 $0xF6A0, s8;
	s10 =	sadd.s32 $0x40, s5  }
0x214: {  	[hbm4b:s10+s3] =	stream.linear.scatter [tilespmem:s7], [sflag:$0x4], $0x80, $0x38;
	[tilespmem:$0x11680] =	vst v63  }
.Ltmp7:
0x215: {  	s7 =	sadd.s32 $0xF728, s8;
	s10 =	sadd.s32 $0x50, s5;
	(pc) =	sbr.rel @p0 .LBB2_17-.Ltmp7, $4  }
0x216: {  	[hbm4b:s10+s3] =	stream.linear.scatter [tilespmem:s7], [sflag:$0x4], $0x80, $0x38;
	[tilespmem:$0x11680] =	vst v63  }
0x217: {  	s7 =	sadd.s32 $0xF7B0, s8;
	s10 =	sadd.s32 $0x60, s5;
	s8 =	sadd.s32 $0xF838, s8  }
0x218: {  	[hbm4b:s10+s3] =	stream.linear.scatter [tilespmem:s7], [sflag:$0x4], $0x80, $0x38;
	[tilespmem:$0x11680] =	vst v63  }
0x219: {  	s10 =	sadd.s32 $0x70, s5;
	s5 =	sadd.s32 $0x4000, s5;
	s7 =	smov.u32 s11  }
0x21a: {  	[hbm4b:s10+s3] =	stream.linear.scatter [tilespmem:s8], [sflag:$0x4], $0x80, $0x38;
	[tilespmem:$0x11680] =	vst v63  }
0x21b: {  	s7 =	sadd.s32 $0xF480, s0  }
0x21c: {  	[hbm4b:s5+s3] =	stream.linear.scatter [tilespmem:s7], [sflag:$0x4], $0x80, $0x38;
	[tilespmem:$0x11680] =	vst v63  }
0x21d: {  	s12 =	sadd.s32 $0xF508, s0;
	s18 =	sadd.s32 $0x10, s5  }
0x21e: {  	[hbm4b:s18+s3] =	stream.linear.scatter [tilespmem:s12], [sflag:$0x4], $0x80, $0x38;
	[tilespmem:$0x11680] =	vst v63  }
0x21f: {  	s19 =	sadd.s32 $0xF590, s0;
	s20 =	sadd.s32 $0x20, s5  }
0x220: {  	[hbm4b:s20+s3] =	stream.linear.scatter [tilespmem:s19], [sflag:$0x4], $0x80, $0x38;
	[tilespmem:$0x11680] =	vst v63  }
0x221: {  	s30 =	sadd.s32 $0xF618, s0;
	s31 =	sadd.s32 $0x30, s5  }
0x222: {  	[hbm4b:s31+s3] =	stream.linear.scatter [tilespmem:s30], [sflag:$0x4], $0x80, $0x38;
	[tilespmem:$0x11680] =	vst v63  }
0x223: {  	s8 =	sadd.s32 $0xF6A0, s0;
	s10 =	sadd.s32 $0x40, s5  }
0x224: {  	[hbm4b:s10+s3] =	stream.linear.scatter [tilespmem:s8], [sflag:$0x4], $0x80, $0x38;
	[tilespmem:$0x11680] =	vst v63  }
0x225: {  	s11 =	sadd.s32 $0xF728, s0;
	s12 =	sadd.s32 $0x50, s5  }
0x226: {  	[hbm4b:s12+s3] =	stream.linear.scatter [tilespmem:s11], [sflag:$0x4], $0x80, $0x38;
	[tilespmem:$0x11680] =	vst v63  }
0x227: {  	s18 =	sadd.s32 $0xF7B0, s0;
	s19 =	sadd.s32 $0x60, s5  }
0x228: {  	[hbm4b:s19+s3] =	stream.linear.scatter [tilespmem:s18], [sflag:$0x4], $0x80, $0x38;
	[tilespmem:$0x11680] =	vst v63  }
0x229: {  	s2 =	sadd.s32 $0x1, s2;
	s20 =	sadd.s32 $0xF838, s0;
	s30 =	sadd.s32 $0x70, s5  }
0x22a: {  	[hbm4b:s30+s3] =	stream.linear.scatter [tilespmem:s20], [sflag:$0x4], $0x80, $0x38;
	[tilespmem:$0x11680] =	vst v63  }
0x22b: {  	p0 =	sne.s32 s2, $0x32;
	_ =	swait.ge [sflag:s17], $0x100  }
.Ltmp8:
0x22c: {  	[sflag:s17] =	ssyncset.done $0x0;
	(pc) =	sbr.rel @p0 .LBB2_2-.Ltmp8, $4  }
0x22d: {  	s31 =	simm.s32 $0x4E80;
	[sflag:s17] =	ssyncadd.s32 $0xFFFFFF00  }
0x22e: {  	[tilespmem:s31], [sflag:$0x2] =	stream.indirect.gather [hbm4b:s6+s13], $0x40, s16, s13, $0xb8;
	[tilespmem:$0x11680] =	vst v63  }
0x22f: {  	_ = 	snop  }
0x230: {  	[tilespmem:s22], [sflag:$0x2] =	stream.indirect.gather [hbm4b:s6+s13], $0x40, s21, s13, $0xb8;
	[tilespmem:$0x11680] =	vst v63  }
0x231: {  	s0 =	simm.s32 $0x3  }
0x232: {  	_ =	swait.ge [sflag:s0], $0x2000  }
0x233: {  	[sflag:s0] =	ssyncset.done $0x0  }
0x234: {  	[sflag:s0] =	ssyncadd.s32 $0xFFFFE000  }
0x235: {  	_ =	swait.ge [sflag:s0], $0x2000  }
0x236: {  	[sflag:s0] =	ssyncset.done $0x0  }
0x237: {  	[sflag:s0] =	ssyncadd.s32 $0xFFFFE000  }
0x238: {  	_ =	swait.ge [sflag:s23], $0x2000  }
0x239: {  	[sflag:s23] =	ssyncset.done $0x0  }
0x23a: {  	[sflag:s23] =	ssyncadd.s32 $0xFFFFE000  }
0x23b: {  	_ =	swait.ge [sflag:s23], $0x2000  }
0x23c: {  	[sflag:s23] =	ssyncset.done $0x0  }
0x23d: {  	s30 =	simm.s32 $0x4;
	[sflag:s23] =	ssyncadd.s32 $0xFFFFE000  }
0x23e: {  	_ =	swait.ge [sflag:s30], $0x2000  }
0x23f: {  	[sflag:s30] =	ssyncset.done $0x0  }
0x240: {  	[sflag:s30] =	ssyncadd.s32 $0xFFFFE000  }
0x241: {  	_ =	swait.ge [sflag:s30], $0x2000  }
0x242: {  	[sflag:s30] =	ssyncset.done $0x0  }
0x243: {  	[sflag:s30] =	ssyncadd.s32 $0xFFFFE000  }
0x244: {  	_ =	swait.ge [sflag:s26], $0x2000  }
0x245: {  	[sflag:s26] =	ssyncset.done $0x0  }
0x246: {  	[sflag:s26] =	ssyncadd.s32 $0xFFFFE000  }
0x247: {  	_ =	swait.ge [sflag:s26], $0x2000  }
0x248: {  	s2 =	rddreg [dreg:$0x7]  }
0x249: {  	s31 =	rddreg [dreg:$0x6];
	s2 =	sadd.s32 $0x1, s2  }
0x24a: {  	p0 =	sne.s32 s2, s31  }
.Ltmp9:
0x24b: {  	_ = 	snop;
	(pc) =	sbr.rel @p0 .LBB2_1-.Ltmp9, $3  }
0x24c: {  	_ =	sdelay $0x1  }
0x24d: {  	[sflag:s26] =	ssyncset.done $0x0  }
0x24e: {  	[sflag:s26] =	ssyncadd.s32 $0xFFFFE000  }
0x24f: {  	_ =	sfence.sel $0x180000  }
0x250: {  	[bflag:$0x0] =	sbarrier.arrive $0xFFFF  }
0x251: {  	_ =	strace $0x90000047  }
0x252: {  	s0 =	stileid.u32;
	[bflag:$0x2] =	sbarrier.arrive $0xFFFF  }
0x253: {  	p0 =	sne.s32 s0, $0x0;
	s0 =	rddreg [dreg:$0x2]  }
0x254: {  	s0 =	sadd.s32 @!p0 $0x100000, s0  }
0x255: {  	[sflag:s0] =	ssyncadd.tile.s32 @!p0 $0x1;
	_ =	shalt  }
.Lfunc_end2:
_tile_overlayer_lowered:
.L_overlay_start_2:
0x256: {  	(tag) =	ssettag $0x2  }
0x257: {  	s0 =	rddreg [dreg:$0x0];
	s2 =	stileid.u32  }
0x258: {  	s1 =	rddreg [dreg:$0x1];
	p0 =	sne.s32 s2, $0x0  }
0x259: {  	s3 =	rddreg [dreg:$0x2];
	[bflag:$0x3] =	sbarrier.arrive $0xFFFF;
	s2 =	simm.s32 @!p0 $0x1C07  }
0x25a: {  	[timem:s3], [sflag:s2] =	dma.local @!p0 [hbm:s0], s1  }
0x25b: {  	s0 =	simm.s32 @!p0 $0x7  }
0x25c: {  	_ =	swait.ge @!p0 [sflag:s0], s1  }
0x25d: {  	s1 =	ssub.s32 @!p0 $0x0, s1;
	[sflag:s0] =	ssyncset.done @!p0 $0x0  }
0x25e: {  	[sflag:s0] =	ssyncadd.s32 @!p0 s1  }
0x25f: {  	[bflag:$0x3] =	sbarrier.arrive $0xFFFF  }
0x260: {  	_ =	shalt  }

</sc_bundles>
